<compile_context>
chip_gen: v7x
topology: tpu7x:2x2x1
jax: 0.10.2.dev20260603
libtpu: 0.0.44.dev20260713+nightly
codegen_flags: <defaults>
</compile_context>

<pallas_src>
import functools

import jax
import jax.numpy as jnp
from jax import lax
from jax.experimental import pallas as pl
from jax.experimental.pallas import tpu as pltpu
from jax.experimental.pallas import tpu_sc as plsc

_B = 64
_V = 100000
_DEPTH = 4
_TOPP = 0.9

_W = 10000
_NCH = _W // 16
_NBKT = 65536
_NCORE = 2
_NSUB = 16
_NWORK = _NCORE * _NSUB


def _expg_const():
    skey = jax.random.key(12345)
    skeys = jax.random.split(skey, _B)
    g = jax.vmap(lambda k: jax.random.gumbel(k, (_V,), jnp.float32))(skeys)
    return jnp.exp(g)


def _build_sc():
    nwin = _V // _W
    mesh = plsc.VectorSubcoreMesh(
        core_axis_name="c", subcore_axis_name="s",
        num_cores=_NCORE, num_subcores=_NSUB)

    @functools.partial(
        pl.kernel,
        mesh=mesh,
        compiler_params=pltpu.CompilerParams(needs_layout_passes=False),
        out_type=[
            jax.ShapeDtypeStruct((_B * _V,), jnp.float32),
            jax.ShapeDtypeStruct((_B * _V,), jnp.float32),
            jax.ShapeDtypeStruct((_B * _V,), jnp.int32),
            jax.ShapeDtypeStruct((_B * _V,), jnp.float32),
            jax.ShapeDtypeStruct((_B * _V,), jnp.int32),
        ],
        scratch_types=[
            pltpu.VMEM((_NBKT,), jnp.int32),
            pltpu.VMEM((_W,), jnp.float32),
            pltpu.VMEM((_W,), jnp.int32),
            pltpu.VMEM((_W,), jnp.float32),
            pltpu.VMEM((_W,), jnp.float32),
            pltpu.VMEM((_W,), jnp.int32),
            pltpu.VMEM((_W,), jnp.int32),
            pltpu.VMEM((16,), jnp.float32),
            pltpu.VMEM((16,), jnp.int32),
        ],
    )
    def sc_kernel(p_hbm, eg_hbm, out_hbm, s0k, s0i, s1k, s1i,
                  cnt, va, vi, vb, sv, si, sp, t16, ti16):
        cid = lax.axis_index("c")
        sid = lax.axis_index("s")
        wid = sid * _NCORE + cid

        lane = lax.iota(jnp.int32, 16)
        lane0 = lane == 0
        zero16i = jnp.zeros((16,), jnp.int32)

        def zero_cnt():
            def body(i, _):
                cnt[pl.ds(i * 16, 16)] = zero16i
                return 0
            lax.fori_loop(0, _NBKT // 16, body, 0, unroll=4)

        def digit(kbits, shift):
            return 65535 - (lax.shift_right_logical(kbits, shift) & 65535)

        def dup_counts(d):
            key = d * 16 + lane
            ks, lanes_s = plsc.sort_key_val(key, lane)
            ds = lax.shift_right_logical(ks, 4)
            ti16[...] = ds
            prev = plsc.load_gather(ti16, [jnp.maximum(lane - 1, 0)])
            nxt = plsc.load_gather(ti16, [jnp.minimum(lane + 1, 15)])
            chg = (ds != prev) | (lane == 0)
            islast = (ds != nxt) | (lane == 15)
            runbase = plsc.cummax(jnp.where(chg, lane, 0))
            c = lane - runbase
            return ds, lanes_s, c, islast

        def hist_pass(src, rowbase, shift):
            def win(w, _):
                base = pl.multiple_of(rowbase + w * _W, 8)
                pltpu.sync_copy(src.at[pl.ds(base, _W)], va)

                def ch(t, _):
                    x = va[pl.ds(t * 16, 16)]
                    d = digit(plsc.bitcast(x, jnp.int32), shift)
                    ds, _, c, islast = dup_counts(d)
                    plsc.addupdate_scatter(cnt, [ds], c + 1, mask=islast)
                    return 0
                lax.fori_loop(0, _NCH, ch, 0)
                return 0
            lax.fori_loop(0, nwin, win, 0)

        def scan_cnt():
            def body(i, carry):
                x = cnt[pl.ds(i * 16, 16)]
                inc = plsc.cumsum(x)
                cnt[pl.ds(i * 16, 16)] = inc - x + carry
                return carry + jnp.max(inc)
            lax.fori_loop(0, _NBKT // 16, body, jnp.int32(0), unroll=4)

        def permute_pass(srcv, srci_or_none, dstv, dsti, rowbase, shift):
            def win(w, _):
                base = pl.multiple_of(rowbase + w * _W, 8)
                pltpu.sync_copy(srcv.at[pl.ds(base, _W)], va)
                if srci_or_none is not None:
                    pltpu.sync_copy(srci_or_none.at[pl.ds(base, _W)], vi)

                def ch(t, _):
                    x = va[pl.ds(t * 16, 16)]
                    d = digit(plsc.bitcast(x, jnp.int32), shift)
                    ds, lanes_s, c, islast = dup_counts(d)
                    off = plsc.load_gather(cnt, [ds])
                    plsc.addupdate_scatter(cnt, [ds], c + 1, mask=islast)
                    src_lane = t * 16 + lanes_s
                    sv[pl.ds(t * 16, 16)] = plsc.load_gather(va, [src_lane])
                    sp[pl.ds(t * 16, 16)] = off + c + rowbase
                    if srci_or_none is None:
                        si[pl.ds(t * 16, 16)] = w * _W + src_lane
                    else:
                        si[pl.ds(t * 16, 16)] = plsc.load_gather(
                            vi, [src_lane])
                    return 0
                lax.fori_loop(0, _NCH, ch, 0)
                pltpu.sync_copy(sv, dstv.at[sp])
                pltpu.sync_copy(si, dsti.at[sp])
                return 0
            lax.fori_loop(0, nwin, win, 0)

        def find_cutoff(rowbase):
            def win(w, st):
                base = pl.multiple_of(rowbase + w * _W, 8)
                pltpu.sync_copy(s1k.at[pl.ds(base, _W)], va)

                def ch(t, st):
                    carry, found, cutoff, z = st
                    x = va[pl.ds(t * 16, 16)]
                    inc = plsc.cumsum(x) + carry
                    crossed = inc >= _TOPP
                    anyc = jnp.max(crossed.astype(jnp.int32))
                    ffs = jnp.minimum(jnp.max(plsc.all_reduce_ffs(crossed)),
                                      jnp.int32(15))
                    t16[...] = inc
                    zv = jnp.max(plsc.load_gather(
                        t16, [jnp.broadcast_to(ffs, (16,))]))
                    take = (found == 0) & (anyc == 1)
                    cutoff = jnp.where(take, w * _W + t * 16 + ffs, cutoff)
                    z = jnp.where(take, zv, z)
                    found = found | anyc
                    return (jnp.max(inc), found, cutoff, z)
                return lax.fori_loop(0, _NCH, ch, st)
            st = (jnp.float32(0.0), jnp.int32(0), jnp.int32(_V - 1),
                  jnp.float32(1.0))
            _, _, cutoff, z = lax.fori_loop(0, nwin, win, st)
            return cutoff, z

        def sample_row(rowbase, cutoff, z):
            tinyz = jnp.float32(1e-30) * z

            def win(w, st):
                base = pl.multiple_of(rowbase + w * _W, 8)
                pltpu.sync_copy(s1k.at[pl.ds(base, _W)], va)
                pltpu.sync_copy(eg_hbm.at[pl.ds(base, _W)], vb)
                pltpu.sync_copy(s1i.at[pl.ds(base, _W)], vi)

                def ch(t, st):
                    bestv, bestj, bestidx = st
                    x = va[pl.ds(t * 16, 16)]
                    eg = vb[pl.ds(t * 16, 16)]
                    ix = vi[pl.ds(t * 16, 16)]
                    jvec = w * _W + t * 16 + lane
                    q = jnp.where(jvec <= cutoff, x,
                                  jnp.broadcast_to(tinyz, (16,)))
                    s = q * eg
                    upd = s > bestv
                    bestv = jnp.where(upd, s, bestv)
                    bestj = jnp.where(upd, jvec, bestj)
                    bestidx = jnp.where(upd, ix, bestidx)
                    return (bestv, bestj, bestidx)
                return lax.fori_loop(0, _NCH, ch, st)

            st = (jnp.full((16,), -1.0, jnp.float32), zero16i, zero16i)
            bestv, bestj, bestidx = lax.fori_loop(0, nwin, win, st)
            m = jnp.max(bestv)
            big = jnp.int32(2 ** 30)
            eqm = bestv == m
            jsel = jnp.min(jnp.where(eqm, bestj, big))
            wmask = eqm & (bestj == jsel)
            return jnp.min(jnp.where(wmask, bestidx, big))

        def write_row(rowbase, winner):
            winwin = winner // _W
            local = winner - winwin * _W
            fillv = jnp.full((16,), 1e-5, jnp.float32)
            bigv = jnp.full((16,), 1e5, jnp.float32)

            def initfill(t, _):
                va[pl.ds(t * 16, 16)] = fillv
                return 0
            lax.fori_loop(0, _NCH, initfill, 0, unroll=4)

            def win(w, _):
                base = pl.multiple_of(rowbase + w * _W, 8)
                inject = w == winwin
                idxv = jnp.broadcast_to(jnp.where(inject, local, 0), (16,))
                val = jnp.where(jnp.broadcast_to(inject, (16,)), bigv, fillv)
                plsc.store_scatter(va, [idxv], val, mask=lane0)
                pltpu.sync_copy(va, out_hbm.at[pl.ds(base, _W)])
                plsc.store_scatter(va, [idxv], fillv, mask=lane0)
                return 0
            lax.fori_loop(0, nwin, win, 0)

        def stage1(r, _):
            rowbase = (wid + _NWORK * r) * _V
            zero_cnt()
            hist_pass(p_hbm, rowbase, 0)
            scan_cnt()
            permute_pass(p_hbm, None, s0k, s0i, rowbase, 0)
            return 0

        def stage2(r, _):
            rowbase = (wid + _NWORK * r) * _V
            zero_cnt()
            hist_pass(s0k, rowbase, 16)
            scan_cnt()
            permute_pass(s0k, s0i, s1k, s1i, rowbase, 16)
            return 0

        def stage3(r, _):
            rowbase = (wid + _NWORK * r) * _V
            cutoff, z = find_cutoff(rowbase)
            winner = sample_row(rowbase, cutoff, z)
            write_row(rowbase, winner)
            return 0

        nrows = _B // _NWORK
        lax.fori_loop(0, nrows, stage1, 0)
        plsc.subcore_barrier()
        lax.fori_loop(0, nrows, stage2, 0)
        plsc.subcore_barrier()
        lax.fori_loop(0, nrows, stage3, 0)

    return sc_kernel


def kernel(input_ids, logits, g_values):
    del input_ids
    probs = jax.nn.softmax(logits, axis=-1)
    g = g_values.astype(jnp.float32)
    for i in range(_DEPTH):
        g_d = g[:, i, :]
        g_mass = jnp.sum(g_d * probs, axis=-1, keepdims=True)
        probs = probs * (1.0 + g_d - g_mass)
    eg = _expg_const()
    sc = _build_sc()
    out_flat, _, _, _, _ = sc(probs.reshape(-1), eg.reshape(-1))
    return out_flat.reshape(_B, _V)

# --- scband reference (transcript-rebuilt; emitter-appended) ---
"""Pipeline reference for scband-sim-synth-idprocessor-62105227100550 (READ-ONLY COPY).

The authoritative reference and input builder live on the scoring server;
editing this copy changes nothing except your own understanding.
"""

import jax, jax.numpy as jnp
import numpy as np

BATCH = 64
VOCAB = 100000
DEPTH = 4
TOP_P = 0.9


def setup_inputs(seed: int = 0) -> dict:
    key = jax.random.key(seed)
    k1, k2, k3 = jax.random.split(key, 3)
    input_ids = jax.random.randint(k1, (BATCH, 32), 0, VOCAB, dtype=jnp.int32)
    logits = jax.random.normal(k2, (BATCH, VOCAB), dtype=jnp.float32)
    # g_values stands in for the simhash-derived binary watermark keys
    # (depth x vocab per batch element); in the original these are produced by
    # hashing a sentence embedding of the last 8 tokens, which is a
    # non-differentiable data-dependent RNG seed. We materialize them directly.
    g_values = jax.random.randint(k3, (BATCH, DEPTH, VOCAB), 0, 2, dtype=jnp.int32)
    return {"input_ids": input_ids, "logits": logits, "g_values": g_values}


def reference(input_ids, logits, g_values):
    del input_ids  # only used to seed the simhash in the original; g_values already materialized
    probs = jax.nn.softmax(logits, axis=-1)
    g = g_values.astype(jnp.float32)
    # iterative tournament-style watermark tilting
    for i in range(DEPTH):
        g_d = g[:, i, :]
        g_mass = jnp.sum(g_d * probs, axis=-1, keepdims=True)
        probs = probs * (1.0 + g_d - g_mass)
    # top-p (nucleus) sampling per batch row
    order = jnp.argsort(-probs, axis=-1)
    sorted_probs = jnp.take_along_axis(probs, order, axis=-1)
    cum = jnp.cumsum(sorted_probs, axis=-1)
    cutoff = jax.vmap(lambda c: jnp.searchsorted(c, TOP_P))(cum)
    keep = jnp.arange(VOCAB)[None, :] <= cutoff[:, None]
    sp = jnp.where(keep, sorted_probs, 0.0)
    sp = sp / jnp.sum(sp, axis=-1, keepdims=True)
    sp = jnp.where(jnp.isfinite(sp), sp, 0.0)
    skey = jax.random.key(12345)
    skeys = jax.random.split(skey, BATCH)
    samp = jax.vmap(lambda k, p: jax.random.categorical(k, jnp.log(jnp.maximum(p, 1e-30))))(skeys, sp)
    next_tok = jnp.take_along_axis(order, samp[:, None], axis=-1)[:, 0]
    out = jnp.full_like(logits, 1e-05)
    out = out.at[jnp.arange(BATCH), next_tok].set(1e5)
    return out

if __name__ == "__main__":
    import jax
    _d = setup_inputs()
    print(jax.jit(kernel)(*tuple(_d.values())))

</pallas_src>

<mosaic_0001>
#map = affine_map<(d0, d1) -> (0)>
module attributes {stable_mosaic.version = 14 : i64} {
  func.func @sc_kernel(%arg0: i32, %arg1: i32, %arg2: memref<6400000xf32, #tpu.memory_space<hbm>>, %arg3: memref<6400000xf32, #tpu.memory_space<hbm>>, %arg4: memref<6400000xf32, #tpu.memory_space<hbm>>, %arg5: memref<6400000xf32, #tpu.memory_space<hbm>>, %arg6: memref<6400000xi32, #tpu.memory_space<hbm>>, %arg7: memref<6400000xf32, #tpu.memory_space<hbm>>, %arg8: memref<6400000xi32, #tpu.memory_space<hbm>>, %arg9: memref<65536xi32, #tpu.memory_space<vmem>>, %arg10: memref<10000xf32, #tpu.memory_space<vmem>>, %arg11: memref<10000xi32, #tpu.memory_space<vmem>>, %arg12: memref<10000xf32, #tpu.memory_space<vmem>>, %arg13: memref<10000xf32, #tpu.memory_space<vmem>>, %arg14: memref<10000xi32, #tpu.memory_space<vmem>>, %arg15: memref<10000xi32, #tpu.memory_space<vmem>>, %arg16: memref<16xf32, #tpu.memory_space<vmem>>, %arg17: memref<16xi32, #tpu.memory_space<vmem>>) attributes {dimension_semantics = [#tpu.dimension_semantics<core_parallel>, #tpu.dimension_semantics<subcore_parallel>], iteration_bounds = array<i64: 2, 16>, scalar_prefetch = 0 : i64, scratch_operands = 9 : i64, tpu.core_type = #tpu.core_type<sc_vector_subcore>, window_params = [{transform_indices = #map}, {transform_indices = #map}, {transform_indices = #map}, {transform_indices = #map}, {transform_indices = #map}, {transform_indices = #map}, {transform_indices = #map}]} {
    %mul3A = arith.constant 2 : i32
    %mul3A_0 = arith.muli %arg1, %mul3A : i32
    %add3A = arith.addi %mul3A_0, %arg0 : i32
    %iota3A = tpu.iota {dimensions = array<i32: 0>} : vector<16xi32>
    %eq3A = arith.constant 0 : i32
    %eq3A_1 = vector.broadcast %eq3A : i32 to vector<16xi32>
    %eq3A_2 = arith.cmpi eq, %iota3A, %eq3A_1 : vector<16xi32>
    %broadcast_in_dim3A = arith.constant 0 : i32
    %broadcast_in_dim3A_3 = vector.broadcast %broadcast_in_dim3A : i32 to vector<16xi32>
    %scan3A = arith.constant 0 : i32
    %scan3A_4 = arith.constant 0 : i32
    %scan3A_5 = arith.constant 2 : i32
    %scan3A_6 = arith.addi %scan3A_4, %scan3A_5 : i32
    %scan3A_7 = arith.constant 1 : i32
    %scan3A_8 = scf.for %scan3A_25 = %scan3A_4 to %scan3A_6 step %scan3A_7 iter_args(%scan3A_26 = %scan3A) -> (i32)  : i32 {
      %mul3A_27 = arith.constant 32 : i32
      %mul3A_28 = arith.muli %mul3A_27, %scan3A_25 : i32
      %add3A_29 = arith.addi %add3A, %mul3A_28 : i32
      %mul3A_30 = arith.constant 100000 : i32
      %mul3A_31 = arith.muli %add3A_29, %mul3A_30 : i32
      %scan3A_32 = arith.constant 0 : i32
      %scan3A_33 = arith.constant 0 : i32
      %scan3A_34 = arith.constant 4096 : i32
      %scan3A_35 = arith.addi %scan3A_33, %scan3A_34 : i32
      %scan3A_36 = arith.constant 4 : i32
      %scan3A_37 = scf.for %scan3A_61 = %scan3A_33 to %scan3A_35 step %scan3A_36 iter_args(%scan3A_62 = %scan3A_32) -> (i32)  : i32 {
        %mul3A_63 = arith.constant 16 : i32
        %mul3A_64 = arith.muli %scan3A_61, %mul3A_63 : i32
        %swap3A = arith.index_cast %mul3A_64 : i32 to index
        %swap3A_65 = tpu.vector_load %arg9[%swap3A] {strides = array<i32>} : memref<65536xi32, #tpu.memory_space<vmem>>, vector<16xi32>,
        tpu.vector_store %arg9[%swap3A], %broadcast_in_dim3A_3 {strides = array<i32>} : memref<65536xi32, #tpu.memory_space<vmem>>, vector<16xi32>,
        %scan3A_66 = arith.constant 0 : i32
        %scan3A_67 = arith.constant 1 : i32
        %scan3A_68 = arith.addi %scan3A_61, %scan3A_67 : i32
        %mul3A_69 = arith.constant 16 : i32
        %mul3A_70 = arith.muli %scan3A_68, %mul3A_69 : i32
        %swap3A_71 = arith.index_cast %mul3A_70 : i32 to index
        %swap3A_72 = tpu.vector_load %arg9[%swap3A_71] {strides = array<i32>} : memref<65536xi32, #tpu.memory_space<vmem>>, vector<16xi32>,
        tpu.vector_store %arg9[%swap3A_71], %broadcast_in_dim3A_3 {strides = array<i32>} : memref<65536xi32, #tpu.memory_space<vmem>>, vector<16xi32>,
        %scan3A_73 = arith.constant 0 : i32
        %scan3A_74 = arith.constant 2 : i32
        %scan3A_75 = arith.addi %scan3A_61, %scan3A_74 : i32
        %mul3A_76 = arith.constant 16 : i32
        %mul3A_77 = arith.muli %scan3A_75, %mul3A_76 : i32
        %swap3A_78 = arith.index_cast %mul3A_77 : i32 to index
        %swap3A_79 = tpu.vector_load %arg9[%swap3A_78] {strides = array<i32>} : memref<65536xi32, #tpu.memory_space<vmem>>, vector<16xi32>,
        tpu.vector_store %arg9[%swap3A_78], %broadcast_in_dim3A_3 {strides = array<i32>} : memref<65536xi32, #tpu.memory_space<vmem>>, vector<16xi32>,
        %scan3A_80 = arith.constant 0 : i32
        %scan3A_81 = arith.constant 3 : i32
        %scan3A_82 = arith.addi %scan3A_61, %scan3A_81 : i32
        %mul3A_83 = arith.constant 16 : i32
        %mul3A_84 = arith.muli %scan3A_82, %mul3A_83 : i32
        %swap3A_85 = arith.index_cast %mul3A_84 : i32 to index
        %swap3A_86 = tpu.vector_load %arg9[%swap3A_85] {strides = array<i32>} : memref<65536xi32, #tpu.memory_space<vmem>>, vector<16xi32>,
        tpu.vector_store %arg9[%swap3A_85], %broadcast_in_dim3A_3 {strides = array<i32>} : memref<65536xi32, #tpu.memory_space<vmem>>, vector<16xi32>,
        %scan3A_87 = arith.constant 0 : i32
        scf.yield %scan3A_87 : i32
      }
      %scan3A_38 = arith.constant 4096 : i32
      %scan3A_39 = arith.constant 0 : i32
      %scan3A_40 = arith.constant 0 : i32
      %scan3A_41 = arith.constant 10 : i32
      %scan3A_42 = arith.addi %scan3A_40, %scan3A_41 : i32
      %scan3A_43 = arith.constant 1 : i32
      %scan3A_44 = scf.for %scan3A_61 = %scan3A_40 to %scan3A_42 step %scan3A_43 iter_args(%scan3A_62 = %scan3A_39) -> (i32)  : i32 {
        %mul3A_63 = arith.constant 10000 : i32
        %mul3A_64 = arith.muli %scan3A_61, %mul3A_63 : i32
        %add3A_65 = arith.addi %mul3A_31, %mul3A_64 : i32
        %multiple_of3A = tpu.assume_multiple %add3A_65, 8 : i32
        "tpu.region"() ({
          %run_scoped3A = tpu.sem_alloc : memref<!tpu.dma_semaphore, #tpu.memory_space<semaphore_mem>>
          %dma_start3A = tpu.memref_slice %arg2[%multiple_of3A] : memref<6400000xf32, #tpu.memory_space<hbm>> -> memref<10000xf32, #tpu.memory_space<hbm>>
          %dma_start3A_74 = tpu.memref_slice %arg2[%multiple_of3A] : memref<6400000xf32, #tpu.memory_space<hbm>> -> memref<10000xf32, #tpu.memory_space<hbm>>
          tpu.enqueue_dma source(%dma_start3A_74 : memref<10000xf32, #tpu.memory_space<hbm>>) target(%arg10 : memref<10000xf32, #tpu.memory_space<vmem>>) target_semaphore(%run_scoped3A : memref<!tpu.dma_semaphore, #tpu.memory_space<semaphore_mem>>)
          %dma_wait3A = tpu.memref_slice %arg2[%multiple_of3A] : memref<6400000xf32, #tpu.memory_space<hbm>> -> memref<10000xf32, #tpu.memory_space<hbm>>
          %dma_wait3A_75 = tpu.memref_slice %arg2[%multiple_of3A] : memref<6400000xf32, #tpu.memory_space<hbm>> -> memref<10000xf32, #tpu.memory_space<hbm>>
          tpu.wait_dma2 semaphore(%run_scoped3A : memref<!tpu.dma_semaphore, #tpu.memory_space<semaphore_mem>>) src(%dma_wait3A_75 : memref<10000xf32, #tpu.memory_space<hbm>>) dst(%arg10 : memref<10000xf32, #tpu.memory_space<vmem>>)
          tpu.yield
        }) : () -> ()
        %scan3A_66 = arith.constant 0 : i32
        %scan3A_67 = arith.constant 0 : i32
        %scan3A_68 = arith.constant 625 : i32
        %scan3A_69 = arith.addi %scan3A_67, %scan3A_68 : i32
        %scan3A_70 = arith.constant 1 : i32
        %scan3A_71 = scf.for %scan3A_74 = %scan3A_67 to %scan3A_69 step %scan3A_70 iter_args(%scan3A_75 = %scan3A_66) -> (i32)  : i32 {
          %mul3A_76 = arith.constant 16 : i32
          %mul3A_77 = arith.muli %scan3A_74, %mul3A_76 : i32
          %get3A = arith.index_cast %mul3A_77 : i32 to index
          %get3A_78 = tpu.vector_load %arg10[%get3A] {strides = array<i32>} : memref<10000xf32, #tpu.memory_space<vmem>>, vector<16xf32>,
          %bitcast3A = vector.bitcast %get3A_78 : vector<16xf32> to vector<16xi32>
          %shift_right_logical3A = arith.constant 0 : i32
          %shift_right_logical3A_79 = vector.broadcast %shift_right_logical3A : i32 to vector<16xi32>
          %shift_right_logical3A_80 = arith.shrui %bitcast3A, %shift_right_logical3A_79 : vector<16xi32>
          %and3A = arith.constant 65535 : i32
          %and3A_81 = vector.broadcast %and3A : i32 to vector<16xi32>
          %and3A_82 = arith.andi %shift_right_logical3A_80, %and3A_81 : vector<16xi32>
          %sub3A = arith.constant 65535 : i32
          %sub3A_83 = vector.broadcast %sub3A : i32 to vector<16xi32>
          %sub3A_84 = arith.subi %sub3A_83, %and3A_82 : vector<16xi32>
          %mul3A_85 = arith.constant 16 : i32
          %mul3A_86 = vector.broadcast %mul3A_85 : i32 to vector<16xi32>
          %mul3A_87 = arith.muli %sub3A_84, %mul3A_86 : vector<16xi32>
          %add3A_88 = arith.addi %mul3A_87, %iota3A : vector<16xi32>
          %masked_sort3A = arith.constant dense<true> : vector<16xi1>
          %masked_sort3A_89 = arith.constant -2147483648 : i32
          %masked_sort3A_90 = vector.broadcast %masked_sort3A_89 : i32 to vector<16xi32>
          %masked_sort3A_91 = arith.xori %add3A_88, %masked_sort3A_90 : vector<16xi32>
          %masked_sort3A_92, %masked_sort3A_93, %masked_sort3A_94 = tpu.sort %masked_sort3A_91, %iota3A masked %masked_sort3A : (vector<16xi32>, vector<16xi32>, vector<16xi1>) -> (vector<16xi1>, vector<16xi32>, vector<16xi32>)
          %masked_sort3A_95 = arith.xori %masked_sort3A_93, %masked_sort3A_90 : vector<16xi32>
          %shift_right_logical3A_96 = arith.constant 4 : i32
          %shift_right_logical3A_97 = vector.broadcast %shift_right_logical3A_96 : i32 to vector<16xi32>
          %shift_right_logical3A_98 = arith.shrui %masked_sort3A_95, %shift_right_logical3A_97 : vector<16xi32>
          %swap3A = arith.constant 0 : index
          %swap3A_99 = tpu.vector_load %arg17[%swap3A] {strides = array<i32>} : memref<16xi32, #tpu.memory_space<vmem>>, vector<16xi32>,
          tpu.vector_store %arg17[%swap3A], %shift_right_logical3A_98 {strides = array<i32>} : memref<16xi32, #tpu.memory_space<vmem>>, vector<16xi32>,
          %sub3A_100 = arith.constant 1 : i32
          %sub3A_101 = vector.broadcast %sub3A_100 : i32 to vector<16xi32>
          %sub3A_102 = arith.subi %iota3A, %sub3A_101 : vector<16xi32>
          %max3A = arith.constant 0 : i32
          %max3A_103 = vector.broadcast %max3A : i32 to vector<16xi32>
          %max3A_104 = arith.maxsi %sub3A_102, %max3A_103 : vector<16xi32>
          %gather3A = tpu.vector_load_idx %arg17[%max3A_104] : memref<16xi32, #tpu.memory_space<vmem>>[vector<16xi32>], vector<16xi32>,
          %add3A_105 = arith.constant 1 : i32
          %add3A_106 = vector.broadcast %add3A_105 : i32 to vector<16xi32>
          %add3A_107 = arith.addi %iota3A, %add3A_106 : vector<16xi32>
          %min3A = arith.constant 15 : i32
          %min3A_108 = vector.broadcast %min3A : i32 to vector<16xi32>
          %min3A_109 = arith.minsi %add3A_107, %min3A_108 : vector<16xi32>
          %gather3A_110 = tpu.vector_load_idx %arg17[%min3A_109] : memref<16xi32, #tpu.memory_space<vmem>>[vector<16xi32>], vector<16xi32>,
          %ne3A = arith.cmpi ne, %shift_right_logical3A_98, %gather3A : vector<16xi32>
          %eq3A_111 = arith.constant 0 : i32
          %eq3A_112 = vector.broadcast %eq3A_111 : i32 to vector<16xi32>
          %eq3A_113 = arith.cmpi eq, %iota3A, %eq3A_112 : vector<16xi32>
          %or3A = arith.ori %ne3A, %eq3A_113 : vector<16xi1>
          %ne3A_114 = arith.cmpi ne, %shift_right_logical3A_98, %gather3A_110 : vector<16xi32>
          %eq3A_115 = arith.constant 15 : i32
          %eq3A_116 = vector.broadcast %eq3A_115 : i32 to vector<16xi32>
          %eq3A_117 = arith.cmpi eq, %iota3A, %eq3A_116 : vector<16xi32>
          %or3A_118 = arith.ori %ne3A_114, %eq3A_117 : vector<16xi1>
          %jit3A = arith.constant 0 : i32
          %broadcast_in_dim3A_119 = vector.broadcast %jit3A : i32 to vector<16xi32>
          %select_n3A = arith.select %or3A, %iota3A, %broadcast_in_dim3A_119 : vector<16xi1>, vector<16xi32>
          %broadcast_in_dim3A_120 = arith.constant true
          %broadcast_in_dim3A_121 = vector.broadcast %broadcast_in_dim3A_120 : i1 to vector<16xi1>
          %masked_cummax3A = arith.constant -2147483648 : i32
          %masked_cummax3A_122 = vector.broadcast %masked_cummax3A : i32 to vector<16xi32>
          %masked_cummax3A_123 = arith.xori %select_n3A, %masked_cummax3A_122 : vector<16xi32>
          %masked_cummax3A_124 = tpu.scan <max>, %masked_cummax3A_123 masked %broadcast_in_dim3A_121 : vector<16xi32>, vector<16xi1> -> vector<16xi32>
          %masked_cummax3A_125 = arith.xori %masked_cummax3A_124, %masked_cummax3A_122 : vector<16xi32>
          %sub3A_126 = arith.subi %iota3A, %masked_cummax3A_125 : vector<16xi32>
          %add3A_127 = arith.constant 1 : i32
          %add3A_128 = vector.broadcast %add3A_127 : i32 to vector<16xi32>
          %add3A_129 = arith.addi %sub3A_126, %add3A_128 : vector<16xi32>
          tpu.vector_store_idx %arg9[%shift_right_logical3A_98], %add3A_129 masked %or3A_118 {add = true} : memref<65536xi32, #tpu.memory_space<vmem>>[vector<16xi32>], vector<16xi32>, vector<16xi1>
          %scan3A_130 = arith.constant 0 : i32
          scf.yield %scan3A_130 : i32
        }
        %scan3A_72 = arith.constant 625 : i32
        %scan3A_73 = arith.constant 0 : i32
        scf.yield %scan3A_73 : i32
      }
      %scan3A_45 = arith.constant 10 : i32
      %scan3A_46 = arith.constant 0 : i32
      %scan3A_47 = arith.constant 0 : i32
      %scan3A_48 = arith.constant 4096 : i32
      %scan3A_49 = arith.addi %scan3A_47, %scan3A_48 : i32
      %scan3A_50 = arith.constant 4 : i32
      %scan3A_51 = scf.for %scan3A_61 = %scan3A_47 to %scan3A_49 step %scan3A_50 iter_args(%scan3A_62 = %scan3A_46) -> (i32)  : i32 {
        %mul3A_63 = arith.constant 16 : i32
        %mul3A_64 = arith.muli %scan3A_61, %mul3A_63 : i32
        %get3A = arith.index_cast %mul3A_64 : i32 to index
        %get3A_65 = tpu.vector_load %arg9[%get3A] {strides = array<i32>} : memref<65536xi32, #tpu.memory_space<vmem>>, vector<16xi32>,
        %broadcast_in_dim3A_66 = arith.constant true
        %broadcast_in_dim3A_67 = vector.broadcast %broadcast_in_dim3A_66 : i1 to vector<16xi1>
        %masked_cumsum3A = tpu.scan <sum>, %get3A_65 masked %broadcast_in_dim3A_67 : vector<16xi32>, vector<16xi1> -> vector<16xi32>
        %sub3A = arith.subi %masked_cumsum3A, %get3A_65 : vector<16xi32>
        %add3A_68 = vector.broadcast %scan3A_62 : i32 to vector<16xi32>
        %add3A_69 = arith.addi %sub3A, %add3A_68 : vector<16xi32>
        %mul3A_70 = arith.constant 16 : i32
        %mul3A_71 = arith.muli %scan3A_61, %mul3A_70 : i32
        %swap3A = arith.index_cast %mul3A_71 : i32 to index
        %swap3A_72 = tpu.vector_load %arg9[%swap3A] {strides = array<i32>} : memref<65536xi32, #tpu.memory_space<vmem>>, vector<16xi32>,
        tpu.vector_store %arg9[%swap3A], %add3A_69 {strides = array<i32>} : memref<65536xi32, #tpu.memory_space<vmem>>, vector<16xi32>,
        %reduce_max3A = arith.constant true
        %reduce_max3A_73 = vector.broadcast %reduce_max3A : i1 to vector<16xi1>
        %reduce_max3A_74 = arith.constant -2147483648 : i32
        %reduce_max3A_75 = vector.broadcast %reduce_max3A_74 : i32 to vector<16xi32>
        %reduce_max3A_76 = arith.xori %masked_cumsum3A, %reduce_max3A_75 : vector<16xi32>
        %reduce_max3A_77 = tpu.scan <max>, %reduce_max3A_76 masked %reduce_max3A_73 : vector<16xi32>, vector<16xi1> -> vector<16xi32>
        %reduce_max3A_78 = arith.xori %reduce_max3A_77, %reduce_max3A_75 : vector<16xi32>
        %reduce_max3A_79 = vector.extract %reduce_max3A_78[15] : i32 from vector<16xi32>
        %add3A_80 = arith.addi %scan3A_62, %reduce_max3A_79 : i32
        %scan3A_81 = arith.constant 1 : i32
        %scan3A_82 = arith.addi %scan3A_61, %scan3A_81 : i32
        %mul3A_83 = arith.constant 16 : i32
        %mul3A_84 = arith.muli %scan3A_82, %mul3A_83 : i32
        %get3A_85 = arith.index_cast %mul3A_84 : i32 to index
        %get3A_86 = tpu.vector_load %arg9[%get3A_85] {strides = array<i32>} : memref<65536xi32, #tpu.memory_space<vmem>>, vector<16xi32>,
        %broadcast_in_dim3A_87 = arith.constant true
        %broadcast_in_dim3A_88 = vector.broadcast %broadcast_in_dim3A_87 : i1 to vector<16xi1>
        %masked_cumsum3A_89 = tpu.scan <sum>, %get3A_86 masked %broadcast_in_dim3A_88 : vector<16xi32>, vector<16xi1> -> vector<16xi32>
        %sub3A_90 = arith.subi %masked_cumsum3A_89, %get3A_86 : vector<16xi32>
        %add3A_91 = vector.broadcast %add3A_80 : i32 to vector<16xi32>
        %add3A_92 = arith.addi %sub3A_90, %add3A_91 : vector<16xi32>
        %mul3A_93 = arith.constant 16 : i32
        %mul3A_94 = arith.muli %scan3A_82, %mul3A_93 : i32
        %swap3A_95 = arith.index_cast %mul3A_94 : i32 to index
        %swap3A_96 = tpu.vector_load %arg9[%swap3A_95] {strides = array<i32>} : memref<65536xi32, #tpu.memory_space<vmem>>, vector<16xi32>,
        tpu.vector_store %arg9[%swap3A_95], %add3A_92 {strides = array<i32>} : memref<65536xi32, #tpu.memory_space<vmem>>, vector<16xi32>,
        %reduce_max3A_97 = arith.constant true
        %reduce_max3A_98 = vector.broadcast %reduce_max3A_97 : i1 to vector<16xi1>
        %reduce_max3A_99 = arith.constant -2147483648 : i32
        %reduce_max3A_100 = vector.broadcast %reduce_max3A_99 : i32 to vector<16xi32>
        %reduce_max3A_101 = arith.xori %masked_cumsum3A_89, %reduce_max3A_100 : vector<16xi32>
        %reduce_max3A_102 = tpu.scan <max>, %reduce_max3A_101 masked %reduce_max3A_98 : vector<16xi32>, vector<16xi1> -> vector<16xi32>
        %reduce_max3A_103 = arith.xori %reduce_max3A_102, %reduce_max3A_100 : vector<16xi32>
        %reduce_max3A_104 = vector.extract %reduce_max3A_103[15] : i32 from vector<16xi32>
        %add3A_105 = arith.addi %add3A_80, %reduce_max3A_104 : i32
        %scan3A_106 = arith.constant 2 : i32
        %scan3A_107 = arith.addi %scan3A_61, %scan3A_106 : i32
        %mul3A_108 = arith.constant 16 : i32
        %mul3A_109 = arith.muli %scan3A_107, %mul3A_108 : i32
        %get3A_110 = arith.index_cast %mul3A_109 : i32 to index
        %get3A_111 = tpu.vector_load %arg9[%get3A_110] {strides = array<i32>} : memref<65536xi32, #tpu.memory_space<vmem>>, vector<16xi32>,
        %broadcast_in_dim3A_112 = arith.constant true
        %broadcast_in_dim3A_113 = vector.broadcast %broadcast_in_dim3A_112 : i1 to vector<16xi1>
        %masked_cumsum3A_114 = tpu.scan <sum>, %get3A_111 masked %broadcast_in_dim3A_113 : vector<16xi32>, vector<16xi1> -> vector<16xi32>
        %sub3A_115 = arith.subi %masked_cumsum3A_114, %get3A_111 : vector<16xi32>
        %add3A_116 = vector.broadcast %add3A_105 : i32 to vector<16xi32>
        %add3A_117 = arith.addi %sub3A_115, %add3A_116 : vector<16xi32>
        %mul3A_118 = arith.constant 16 : i32
        %mul3A_119 = arith.muli %scan3A_107, %mul3A_118 : i32
        %swap3A_120 = arith.index_cast %mul3A_119 : i32 to index
        %swap3A_121 = tpu.vector_load %arg9[%swap3A_120] {strides = array<i32>} : memref<65536xi32, #tpu.memory_space<vmem>>, vector<16xi32>,
        tpu.vector_store %arg9[%swap3A_120], %add3A_117 {strides = array<i32>} : memref<65536xi32, #tpu.memory_space<vmem>>, vector<16xi32>,
        %reduce_max3A_122 = arith.constant true
        %reduce_max3A_123 = vector.broadcast %reduce_max3A_122 : i1 to vector<16xi1>
        %reduce_max3A_124 = arith.constant -2147483648 : i32
        %reduce_max3A_125 = vector.broadcast %reduce_max3A_124 : i32 to vector<16xi32>
        %reduce_max3A_126 = arith.xori %masked_cumsum3A_114, %reduce_max3A_125 : vector<16xi32>
        %reduce_max3A_127 = tpu.scan <max>, %reduce_max3A_126 masked %reduce_max3A_123 : vector<16xi32>, vector<16xi1> -> vector<16xi32>
        %reduce_max3A_128 = arith.xori %reduce_max3A_127, %reduce_max3A_125 : vector<16xi32>
        %reduce_max3A_129 = vector.extract %reduce_max3A_128[15] : i32 from vector<16xi32>
        %add3A_130 = arith.addi %add3A_105, %reduce_max3A_129 : i32
        %scan3A_131 = arith.constant 3 : i32
        %scan3A_132 = arith.addi %scan3A_61, %scan3A_131 : i32
        %mul3A_133 = arith.constant 16 : i32
        %mul3A_134 = arith.muli %scan3A_132, %mul3A_133 : i32
        %get3A_135 = arith.index_cast %mul3A_134 : i32 to index
        %get3A_136 = tpu.vector_load %arg9[%get3A_135] {strides = array<i32>} : memref<65536xi32, #tpu.memory_space<vmem>>, vector<16xi32>,
        %broadcast_in_dim3A_137 = arith.constant true
        %broadcast_in_dim3A_138 = vector.broadcast %broadcast_in_dim3A_137 : i1 to vector<16xi1>
        %masked_cumsum3A_139 = tpu.scan <sum>, %get3A_136 masked %broadcast_in_dim3A_138 : vector<16xi32>, vector<16xi1> -> vector<16xi32>
        %sub3A_140 = arith.subi %masked_cumsum3A_139, %get3A_136 : vector<16xi32>
        %add3A_141 = vector.broadcast %add3A_130 : i32 to vector<16xi32>
        %add3A_142 = arith.addi %sub3A_140, %add3A_141 : vector<16xi32>
        %mul3A_143 = arith.constant 16 : i32
        %mul3A_144 = arith.muli %scan3A_132, %mul3A_143 : i32
        %swap3A_145 = arith.index_cast %mul3A_144 : i32 to index
        %swap3A_146 = tpu.vector_load %arg9[%swap3A_145] {strides = array<i32>} : memref<65536xi32, #tpu.memory_space<vmem>>, vector<16xi32>,
        tpu.vector_store %arg9[%swap3A_145], %add3A_142 {strides = array<i32>} : memref<65536xi32, #tpu.memory_space<vmem>>, vector<16xi32>,
        %reduce_max3A_147 = arith.constant true
        %reduce_max3A_148 = vector.broadcast %reduce_max3A_147 : i1 to vector<16xi1>
        %reduce_max3A_149 = arith.constant -2147483648 : i32
        %reduce_max3A_150 = vector.broadcast %reduce_max3A_149 : i32 to vector<16xi32>
        %reduce_max3A_151 = arith.xori %masked_cumsum3A_139, %reduce_max3A_150 : vector<16xi32>
        %reduce_max3A_152 = tpu.scan <max>, %reduce_max3A_151 masked %reduce_max3A_148 : vector<16xi32>, vector<16xi1> -> vector<16xi32>
        %reduce_max3A_153 = arith.xori %reduce_max3A_152, %reduce_max3A_150 : vector<16xi32>
        %reduce_max3A_154 = vector.extract %reduce_max3A_153[15] : i32 from vector<16xi32>
        %add3A_155 = arith.addi %add3A_130, %reduce_max3A_154 : i32
        scf.yield %add3A_155 : i32
      }
      %scan3A_52 = arith.constant 4096 : i32
      %scan3A_53 = arith.constant 0 : i32
      %scan3A_54 = arith.constant 0 : i32
      %scan3A_55 = arith.constant 10 : i32
      %scan3A_56 = arith.addi %scan3A_54, %scan3A_55 : i32
      %scan3A_57 = arith.constant 1 : i32
      %scan3A_58 = scf.for %scan3A_61 = %scan3A_54 to %scan3A_56 step %scan3A_57 iter_args(%scan3A_62 = %scan3A_53) -> (i32)  : i32 {
        %mul3A_63 = arith.constant 10000 : i32
        %mul3A_64 = arith.muli %scan3A_61, %mul3A_63 : i32
        %add3A_65 = arith.addi %mul3A_31, %mul3A_64 : i32
        %multiple_of3A = tpu.assume_multiple %add3A_65, 8 : i32
        "tpu.region"() ({
          %run_scoped3A = tpu.sem_alloc : memref<!tpu.dma_semaphore, #tpu.memory_space<semaphore_mem>>
          %dma_start3A = tpu.memref_slice %arg2[%multiple_of3A] : memref<6400000xf32, #tpu.memory_space<hbm>> -> memref<10000xf32, #tpu.memory_space<hbm>>
          %dma_start3A_74 = tpu.memref_slice %arg2[%multiple_of3A] : memref<6400000xf32, #tpu.memory_space<hbm>> -> memref<10000xf32, #tpu.memory_space<hbm>>
          tpu.enqueue_dma source(%dma_start3A_74 : memref<10000xf32, #tpu.memory_space<hbm>>) target(%arg10 : memref<10000xf32, #tpu.memory_space<vmem>>) target_semaphore(%run_scoped3A : memref<!tpu.dma_semaphore, #tpu.memory_space<semaphore_mem>>)
          %dma_wait3A = tpu.memref_slice %arg2[%multiple_of3A] : memref<6400000xf32, #tpu.memory_space<hbm>> -> memref<10000xf32, #tpu.memory_space<hbm>>
          %dma_wait3A_75 = tpu.memref_slice %arg2[%multiple_of3A] : memref<6400000xf32, #tpu.memory_space<hbm>> -> memref<10000xf32, #tpu.memory_space<hbm>>
          tpu.wait_dma2 semaphore(%run_scoped3A : memref<!tpu.dma_semaphore, #tpu.memory_space<semaphore_mem>>) src(%dma_wait3A_75 : memref<10000xf32, #tpu.memory_space<hbm>>) dst(%arg10 : memref<10000xf32, #tpu.memory_space<vmem>>)
          tpu.yield
        }) : () -> ()
        %scan3A_66 = arith.constant 0 : i32
        %scan3A_67 = arith.constant 0 : i32
        %scan3A_68 = arith.constant 625 : i32
        %scan3A_69 = arith.addi %scan3A_67, %scan3A_68 : i32
        %scan3A_70 = arith.constant 1 : i32
        %scan3A_71 = scf.for %scan3A_74 = %scan3A_67 to %scan3A_69 step %scan3A_70 iter_args(%scan3A_75 = %scan3A_66) -> (i32)  : i32 {
          %mul3A_76 = arith.constant 16 : i32
          %mul3A_77 = arith.muli %scan3A_74, %mul3A_76 : i32
          %get3A = arith.index_cast %mul3A_77 : i32 to index
          %get3A_78 = tpu.vector_load %arg10[%get3A] {strides = array<i32>} : memref<10000xf32, #tpu.memory_space<vmem>>, vector<16xf32>,
          %bitcast3A = vector.bitcast %get3A_78 : vector<16xf32> to vector<16xi32>
          %shift_right_logical3A = arith.constant 0 : i32
          %shift_right_logical3A_79 = vector.broadcast %shift_right_logical3A : i32 to vector<16xi32>
          %shift_right_logical3A_80 = arith.shrui %bitcast3A, %shift_right_logical3A_79 : vector<16xi32>
          %and3A = arith.constant 65535 : i32
          %and3A_81 = vector.broadcast %and3A : i32 to vector<16xi32>
          %and3A_82 = arith.andi %shift_right_logical3A_80, %and3A_81 : vector<16xi32>
          %sub3A = arith.constant 65535 : i32
          %sub3A_83 = vector.broadcast %sub3A : i32 to vector<16xi32>
          %sub3A_84 = arith.subi %sub3A_83, %and3A_82 : vector<16xi32>
          %mul3A_85 = arith.constant 16 : i32
          %mul3A_86 = vector.broadcast %mul3A_85 : i32 to vector<16xi32>
          %mul3A_87 = arith.muli %sub3A_84, %mul3A_86 : vector<16xi32>
          %add3A_88 = arith.addi %mul3A_87, %iota3A : vector<16xi32>
          %masked_sort3A = arith.constant dense<true> : vector<16xi1>
          %masked_sort3A_89 = arith.constant -2147483648 : i32
          %masked_sort3A_90 = vector.broadcast %masked_sort3A_89 : i32 to vector<16xi32>
          %masked_sort3A_91 = arith.xori %add3A_88, %masked_sort3A_90 : vector<16xi32>
          %masked_sort3A_92, %masked_sort3A_93, %masked_sort3A_94 = tpu.sort %masked_sort3A_91, %iota3A masked %masked_sort3A : (vector<16xi32>, vector<16xi32>, vector<16xi1>) -> (vector<16xi1>, vector<16xi32>, vector<16xi32>)
          %masked_sort3A_95 = arith.xori %masked_sort3A_93, %masked_sort3A_90 : vector<16xi32>
          %shift_right_logical3A_96 = arith.constant 4 : i32
          %shift_right_logical3A_97 = vector.broadcast %shift_right_logical3A_96 : i32 to vector<16xi32>
          %shift_right_logical3A_98 = arith.shrui %masked_sort3A_95, %shift_right_logical3A_97 : vector<16xi32>
          %swap3A = arith.constant 0 : index
          %swap3A_99 = tpu.vector_load %arg17[%swap3A] {strides = array<i32>} : memref<16xi32, #tpu.memory_space<vmem>>, vector<16xi32>,
          tpu.vector_store %arg17[%swap3A], %shift_right_logical3A_98 {strides = array<i32>} : memref<16xi32, #tpu.memory_space<vmem>>, vector<16xi32>,
          %sub3A_100 = arith.constant 1 : i32
          %sub3A_101 = vector.broadcast %sub3A_100 : i32 to vector<16xi32>
          %sub3A_102 = arith.subi %iota3A, %sub3A_101 : vector<16xi32>
          %max3A = arith.constant 0 : i32
          %max3A_103 = vector.broadcast %max3A : i32 to vector<16xi32>
          %max3A_104 = arith.maxsi %sub3A_102, %max3A_103 : vector<16xi32>
          %gather3A = tpu.vector_load_idx %arg17[%max3A_104] : memref<16xi32, #tpu.memory_space<vmem>>[vector<16xi32>], vector<16xi32>,
          %add3A_105 = arith.constant 1 : i32
          %add3A_106 = vector.broadcast %add3A_105 : i32 to vector<16xi32>
          %add3A_107 = arith.addi %iota3A, %add3A_106 : vector<16xi32>
          %min3A = arith.constant 15 : i32
          %min3A_108 = vector.broadcast %min3A : i32 to vector<16xi32>
          %min3A_109 = arith.minsi %add3A_107, %min3A_108 : vector<16xi32>
          %gather3A_110 = tpu.vector_load_idx %arg17[%min3A_109] : memref<16xi32, #tpu.memory_space<vmem>>[vector<16xi32>], vector<16xi32>,
          %ne3A = arith.cmpi ne, %shift_right_logical3A_98, %gather3A : vector<16xi32>
          %eq3A_111 = arith.constant 0 : i32
          %eq3A_112 = vector.broadcast %eq3A_111 : i32 to vector<16xi32>
          %eq3A_113 = arith.cmpi eq, %iota3A, %eq3A_112 : vector<16xi32>
          %or3A = arith.ori %ne3A, %eq3A_113 : vector<16xi1>
          %ne3A_114 = arith.cmpi ne, %shift_right_logical3A_98, %gather3A_110 : vector<16xi32>
          %eq3A_115 = arith.constant 15 : i32
          %eq3A_116 = vector.broadcast %eq3A_115 : i32 to vector<16xi32>
          %eq3A_117 = arith.cmpi eq, %iota3A, %eq3A_116 : vector<16xi32>
          %or3A_118 = arith.ori %ne3A_114, %eq3A_117 : vector<16xi1>
          %jit3A = arith.constant 0 : i32
          %broadcast_in_dim3A_119 = vector.broadcast %jit3A : i32 to vector<16xi32>
          %select_n3A = arith.select %or3A, %iota3A, %broadcast_in_dim3A_119 : vector<16xi1>, vector<16xi32>
          %broadcast_in_dim3A_120 = arith.constant true
          %broadcast_in_dim3A_121 = vector.broadcast %broadcast_in_dim3A_120 : i1 to vector<16xi1>
          %masked_cummax3A = arith.constant -2147483648 : i32
          %masked_cummax3A_122 = vector.broadcast %masked_cummax3A : i32 to vector<16xi32>
          %masked_cummax3A_123 = arith.xori %select_n3A, %masked_cummax3A_122 : vector<16xi32>
          %masked_cummax3A_124 = tpu.scan <max>, %masked_cummax3A_123 masked %broadcast_in_dim3A_121 : vector<16xi32>, vector<16xi1> -> vector<16xi32>
          %masked_cummax3A_125 = arith.xori %masked_cummax3A_124, %masked_cummax3A_122 : vector<16xi32>
          %sub3A_126 = arith.subi %iota3A, %masked_cummax3A_125 : vector<16xi32>
          %gather3A_127 = tpu.vector_load_idx %arg9[%shift_right_logical3A_98] : memref<65536xi32, #tpu.memory_space<vmem>>[vector<16xi32>], vector<16xi32>,
          %add3A_128 = arith.constant 1 : i32
          %add3A_129 = vector.broadcast %add3A_128 : i32 to vector<16xi32>
          %add3A_130 = arith.addi %sub3A_126, %add3A_129 : vector<16xi32>
          tpu.vector_store_idx %arg9[%shift_right_logical3A_98], %add3A_130 masked %or3A_118 {add = true} : memref<65536xi32, #tpu.memory_space<vmem>>[vector<16xi32>], vector<16xi32>, vector<16xi1>
          %mul3A_131 = arith.constant 16 : i32
          %mul3A_132 = arith.muli %scan3A_74, %mul3A_131 : i32
          %add3A_133 = vector.broadcast %mul3A_132 : i32 to vector<16xi32>
          %add3A_134 = arith.addi %add3A_133, %masked_sort3A_94 : vector<16xi32>
          %gather3A_135 = tpu.vector_load_idx %arg10[%add3A_134] : memref<10000xf32, #tpu.memory_space<vmem>>[vector<16xi32>], vector<16xf32>,
          %mul3A_136 = arith.constant 16 : i32
          %mul3A_137 = arith.muli %scan3A_74, %mul3A_136 : i32
          %swap3A_138 = arith.index_cast %mul3A_137 : i32 to index
          %swap3A_139 = tpu.vector_load %arg13[%swap3A_138] {strides = array<i32>} : memref<10000xf32, #tpu.memory_space<vmem>>, vector<16xf32>,
          tpu.vector_store %arg13[%swap3A_138], %gather3A_135 {strides = array<i32>} : memref<10000xf32, #tpu.memory_space<vmem>>, vector<16xf32>,
          %add3A_140 = arith.addi %gather3A_127, %sub3A_126 : vector<16xi32>
          %add3A_141 = vector.broadcast %mul3A_31 : i32 to vector<16xi32>
          %add3A_142 = arith.addi %add3A_140, %add3A_141 : vector<16xi32>
          %mul3A_143 = arith.constant 16 : i32
          %mul3A_144 = arith.muli %scan3A_74, %mul3A_143 : i32
          %swap3A_145 = arith.index_cast %mul3A_144 : i32 to index
          %swap3A_146 = tpu.vector_load %arg15[%swap3A_145] {strides = array<i32>} : memref<10000xi32, #tpu.memory_space<vmem>>, vector<16xi32>,
          tpu.vector_store %arg15[%swap3A_145], %add3A_142 {strides = array<i32>} : memref<10000xi32, #tpu.memory_space<vmem>>, vector<16xi32>,
          %mul3A_147 = arith.constant 10000 : i32
          %mul3A_148 = arith.muli %scan3A_61, %mul3A_147 : i32
          %add3A_149 = vector.broadcast %mul3A_148 : i32 to vector<16xi32>
          %add3A_150 = arith.addi %add3A_149, %add3A_134 : vector<16xi32>
          %mul3A_151 = arith.constant 16 : i32
          %mul3A_152 = arith.muli %scan3A_74, %mul3A_151 : i32
          %swap3A_153 = arith.index_cast %mul3A_152 : i32 to index
          %swap3A_154 = tpu.vector_load %arg14[%swap3A_153] {strides = array<i32>} : memref<10000xi32, #tpu.memory_space<vmem>>, vector<16xi32>,
          tpu.vector_store %arg14[%swap3A_153], %add3A_150 {strides = array<i32>} : memref<10000xi32, #tpu.memory_space<vmem>>, vector<16xi32>,
          %scan3A_155 = arith.constant 0 : i32
          scf.yield %scan3A_155 : i32
        }
        %scan3A_72 = arith.constant 625 : i32
        "tpu.region"() ({
          %run_scoped3A = tpu.sem_alloc : memref<!tpu.dma_semaphore, #tpu.memory_space<semaphore_mem>>
          %dma_start3A = arith.constant 0 : i32
          %dma_start3A_74 = tpu.memref_slice %arg5[%dma_start3A] : memref<6400000xf32, #tpu.memory_space<hbm>> -> memref<6400000xf32, #tpu.memory_space<hbm>>
          tpu.enqueue_indirect_dma source(%arg13 : memref<10000xf32, #tpu.memory_space<vmem>>) target(%dma_start3A_74 : memref<6400000xf32, #tpu.memory_space<hbm>>) offsets(%arg15 : memref<10000xi32, #tpu.memory_space<vmem>>) semaphore(%run_scoped3A : memref<!tpu.dma_semaphore, #tpu.memory_space<semaphore_mem>>)
          %dma_wait3A = arith.constant 0 : i32
          %dma_wait3A_75 = tpu.memref_slice %arg5[%dma_wait3A] : memref<6400000xf32, #tpu.memory_space<hbm>> -> memref<6400000xf32, #tpu.memory_space<hbm>>
          tpu.wait_indirect_dma semaphore(%run_scoped3A : memref<!tpu.dma_semaphore, #tpu.memory_space<semaphore_mem>>) src(%arg13 : memref<10000xf32, #tpu.memory_space<vmem>>) dst(%dma_wait3A_75 : memref<6400000xf32, #tpu.memory_space<hbm>>)
          tpu.yield
        }) : () -> ()
        "tpu.region"() ({
          %run_scoped3A = tpu.sem_alloc : memref<!tpu.dma_semaphore, #tpu.memory_space<semaphore_mem>>
          %dma_start3A = arith.constant 0 : i32
          %dma_start3A_74 = tpu.memref_slice %arg6[%dma_start3A] : memref<6400000xi32, #tpu.memory_space<hbm>> -> memref<6400000xi32, #tpu.memory_space<hbm>>
          tpu.enqueue_indirect_dma source(%arg14 : memref<10000xi32, #tpu.memory_space<vmem>>) target(%dma_start3A_74 : memref<6400000xi32, #tpu.memory_space<hbm>>) offsets(%arg15 : memref<10000xi32, #tpu.memory_space<vmem>>) semaphore(%run_scoped3A : memref<!tpu.dma_semaphore, #tpu.memory_space<semaphore_mem>>)
          %dma_wait3A = arith.constant 0 : i32
          %dma_wait3A_75 = tpu.memref_slice %arg6[%dma_wait3A] : memref<6400000xi32, #tpu.memory_space<hbm>> -> memref<6400000xi32, #tpu.memory_space<hbm>>
          tpu.wait_indirect_dma semaphore(%run_scoped3A : memref<!tpu.dma_semaphore, #tpu.memory_space<semaphore_mem>>) src(%arg14 : memref<10000xi32, #tpu.memory_space<vmem>>) dst(%dma_wait3A_75 : memref<6400000xi32, #tpu.memory_space<hbm>>)
          tpu.yield
        }) : () -> ()
        %scan3A_73 = arith.constant 0 : i32
        scf.yield %scan3A_73 : i32
      }
      %scan3A_59 = arith.constant 10 : i32
      %scan3A_60 = arith.constant 0 : i32
      scf.yield %scan3A_60 : i32
    }
    %scan3A_9 = arith.constant 2 : i32
    %barrier3A = arith.constant 0 : index
    tpu.barrier barrier_id(%barrier3A)
    %scan3A_10 = arith.constant 0 : i32
    %scan3A_11 = arith.constant 0 : i32
    %scan3A_12 = arith.constant 2 : i32
    %scan3A_13 = arith.addi %scan3A_11, %scan3A_12 : i32
    %scan3A_14 = arith.constant 1 : i32
    %scan3A_15 = scf.for %scan3A_25 = %scan3A_11 to %scan3A_13 step %scan3A_14 iter_args(%scan3A_26 = %scan3A_10) -> (i32)  : i32 {
      %mul3A_27 = arith.constant 32 : i32
      %mul3A_28 = arith.muli %mul3A_27, %scan3A_25 : i32
      %add3A_29 = arith.addi %add3A, %mul3A_28 : i32
      %mul3A_30 = arith.constant 100000 : i32
      %mul3A_31 = arith.muli %add3A_29, %mul3A_30 : i32
      %scan3A_32 = arith.constant 0 : i32
      %scan3A_33 = arith.constant 0 : i32
      %scan3A_34 = arith.constant 4096 : i32
      %scan3A_35 = arith.addi %scan3A_33, %scan3A_34 : i32
      %scan3A_36 = arith.constant 4 : i32
      %scan3A_37 = scf.for %scan3A_61 = %scan3A_33 to %scan3A_35 step %scan3A_36 iter_args(%scan3A_62 = %scan3A_32) -> (i32)  : i32 {
        %mul3A_63 = arith.constant 16 : i32
        %mul3A_64 = arith.muli %scan3A_61, %mul3A_63 : i32
        %swap3A = arith.index_cast %mul3A_64 : i32 to index
        %swap3A_65 = tpu.vector_load %arg9[%swap3A] {strides = array<i32>} : memref<65536xi32, #tpu.memory_space<vmem>>, vector<16xi32>,
        tpu.vector_store %arg9[%swap3A], %broadcast_in_dim3A_3 {strides = array<i32>} : memref<65536xi32, #tpu.memory_space<vmem>>, vector<16xi32>,
        %scan3A_66 = arith.constant 0 : i32
        %scan3A_67 = arith.constant 1 : i32
        %scan3A_68 = arith.addi %scan3A_61, %scan3A_67 : i32
        %mul3A_69 = arith.constant 16 : i32
        %mul3A_70 = arith.muli %scan3A_68, %mul3A_69 : i32
        %swap3A_71 = arith.index_cast %mul3A_70 : i32 to index
        %swap3A_72 = tpu.vector_load %arg9[%swap3A_71] {strides = array<i32>} : memref<65536xi32, #tpu.memory_space<vmem>>, vector<16xi32>,
        tpu.vector_store %arg9[%swap3A_71], %broadcast_in_dim3A_3 {strides = array<i32>} : memref<65536xi32, #tpu.memory_space<vmem>>, vector<16xi32>,
        %scan3A_73 = arith.constant 0 : i32
        %scan3A_74 = arith.constant 2 : i32
        %scan3A_75 = arith.addi %scan3A_61, %scan3A_74 : i32
        %mul3A_76 = arith.constant 16 : i32
        %mul3A_77 = arith.muli %scan3A_75, %mul3A_76 : i32
        %swap3A_78 = arith.index_cast %mul3A_77 : i32 to index
        %swap3A_79 = tpu.vector_load %arg9[%swap3A_78] {strides = array<i32>} : memref<65536xi32, #tpu.memory_space<vmem>>, vector<16xi32>,
        tpu.vector_store %arg9[%swap3A_78], %broadcast_in_dim3A_3 {strides = array<i32>} : memref<65536xi32, #tpu.memory_space<vmem>>, vector<16xi32>,
        %scan3A_80 = arith.constant 0 : i32
        %scan3A_81 = arith.constant 3 : i32
        %scan3A_82 = arith.addi %scan3A_61, %scan3A_81 : i32
        %mul3A_83 = arith.constant 16 : i32
        %mul3A_84 = arith.muli %scan3A_82, %mul3A_83 : i32
        %swap3A_85 = arith.index_cast %mul3A_84 : i32 to index
        %swap3A_86 = tpu.vector_load %arg9[%swap3A_85] {strides = array<i32>} : memref<65536xi32, #tpu.memory_space<vmem>>, vector<16xi32>,
        tpu.vector_store %arg9[%swap3A_85], %broadcast_in_dim3A_3 {strides = array<i32>} : memref<65536xi32, #tpu.memory_space<vmem>>, vector<16xi32>,
        %scan3A_87 = arith.constant 0 : i32
        scf.yield %scan3A_87 : i32
      }
      %scan3A_38 = arith.constant 4096 : i32
      %scan3A_39 = arith.constant 0 : i32
      %scan3A_40 = arith.constant 0 : i32
      %scan3A_41 = arith.constant 10 : i32
      %scan3A_42 = arith.addi %scan3A_40, %scan3A_41 : i32
      %scan3A_43 = arith.constant 1 : i32
      %scan3A_44 = scf.for %scan3A_61 = %scan3A_40 to %scan3A_42 step %scan3A_43 iter_args(%scan3A_62 = %scan3A_39) -> (i32)  : i32 {
        %mul3A_63 = arith.constant 10000 : i32
        %mul3A_64 = arith.muli %scan3A_61, %mul3A_63 : i32
        %add3A_65 = arith.addi %mul3A_31, %mul3A_64 : i32
        %multiple_of3A = tpu.assume_multiple %add3A_65, 8 : i32
        "tpu.region"() ({
          %run_scoped3A = tpu.sem_alloc : memref<!tpu.dma_semaphore, #tpu.memory_space<semaphore_mem>>
          %dma_start3A = tpu.memref_slice %arg5[%multiple_of3A] : memref<6400000xf32, #tpu.memory_space<hbm>> -> memref<10000xf32, #tpu.memory_space<hbm>>
          %dma_start3A_74 = tpu.memref_slice %arg5[%multiple_of3A] : memref<6400000xf32, #tpu.memory_space<hbm>> -> memref<10000xf32, #tpu.memory_space<hbm>>
          tpu.enqueue_dma source(%dma_start3A_74 : memref<10000xf32, #tpu.memory_space<hbm>>) target(%arg10 : memref<10000xf32, #tpu.memory_space<vmem>>) target_semaphore(%run_scoped3A : memref<!tpu.dma_semaphore, #tpu.memory_space<semaphore_mem>>)
          %dma_wait3A = tpu.memref_slice %arg5[%multiple_of3A] : memref<6400000xf32, #tpu.memory_space<hbm>> -> memref<10000xf32, #tpu.memory_space<hbm>>
          %dma_wait3A_75 = tpu.memref_slice %arg5[%multiple_of3A] : memref<6400000xf32, #tpu.memory_space<hbm>> -> memref<10000xf32, #tpu.memory_space<hbm>>
          tpu.wait_dma2 semaphore(%run_scoped3A : memref<!tpu.dma_semaphore, #tpu.memory_space<semaphore_mem>>) src(%dma_wait3A_75 : memref<10000xf32, #tpu.memory_space<hbm>>) dst(%arg10 : memref<10000xf32, #tpu.memory_space<vmem>>)
          tpu.yield
        }) : () -> ()
        %scan3A_66 = arith.constant 0 : i32
        %scan3A_67 = arith.constant 0 : i32
        %scan3A_68 = arith.constant 625 : i32
        %scan3A_69 = arith.addi %scan3A_67, %scan3A_68 : i32
        %scan3A_70 = arith.constant 1 : i32
        %scan3A_71 = scf.for %scan3A_74 = %scan3A_67 to %scan3A_69 step %scan3A_70 iter_args(%scan3A_75 = %scan3A_66) -> (i32)  : i32 {
          %mul3A_76 = arith.constant 16 : i32
          %mul3A_77 = arith.muli %scan3A_74, %mul3A_76 : i32
          %get3A = arith.index_cast %mul3A_77 : i32 to index
          %get3A_78 = tpu.vector_load %arg10[%get3A] {strides = array<i32>} : memref<10000xf32, #tpu.memory_space<vmem>>, vector<16xf32>,
          %bitcast3A = vector.bitcast %get3A_78 : vector<16xf32> to vector<16xi32>
          %shift_right_logical3A = arith.constant 16 : i32
          %shift_right_logical3A_79 = vector.broadcast %shift_right_logical3A : i32 to vector<16xi32>
          %shift_right_logical3A_80 = arith.shrui %bitcast3A, %shift_right_logical3A_79 : vector<16xi32>
          %and3A = arith.constant 65535 : i32
          %and3A_81 = vector.broadcast %and3A : i32 to vector<16xi32>
          %and3A_82 = arith.andi %shift_right_logical3A_80, %and3A_81 : vector<16xi32>
          %sub3A = arith.constant 65535 : i32
          %sub3A_83 = vector.broadcast %sub3A : i32 to vector<16xi32>
          %sub3A_84 = arith.subi %sub3A_83, %and3A_82 : vector<16xi32>
          %mul3A_85 = arith.constant 16 : i32
          %mul3A_86 = vector.broadcast %mul3A_85 : i32 to vector<16xi32>
          %mul3A_87 = arith.muli %sub3A_84, %mul3A_86 : vector<16xi32>
          %add3A_88 = arith.addi %mul3A_87, %iota3A : vector<16xi32>
          %masked_sort3A = arith.constant dense<true> : vector<16xi1>
          %masked_sort3A_89 = arith.constant -2147483648 : i32
          %masked_sort3A_90 = vector.broadcast %masked_sort3A_89 : i32 to vector<16xi32>
          %masked_sort3A_91 = arith.xori %add3A_88, %masked_sort3A_90 : vector<16xi32>
          %masked_sort3A_92, %masked_sort3A_93, %masked_sort3A_94 = tpu.sort %masked_sort3A_91, %iota3A masked %masked_sort3A : (vector<16xi32>, vector<16xi32>, vector<16xi1>) -> (vector<16xi1>, vector<16xi32>, vector<16xi32>)
          %masked_sort3A_95 = arith.xori %masked_sort3A_93, %masked_sort3A_90 : vector<16xi32>
          %shift_right_logical3A_96 = arith.constant 4 : i32
          %shift_right_logical3A_97 = vector.broadcast %shift_right_logical3A_96 : i32 to vector<16xi32>
          %shift_right_logical3A_98 = arith.shrui %masked_sort3A_95, %shift_right_logical3A_97 : vector<16xi32>
          %swap3A = arith.constant 0 : index
          %swap3A_99 = tpu.vector_load %arg17[%swap3A] {strides = array<i32>} : memref<16xi32, #tpu.memory_space<vmem>>, vector<16xi32>,
          tpu.vector_store %arg17[%swap3A], %shift_right_logical3A_98 {strides = array<i32>} : memref<16xi32, #tpu.memory_space<vmem>>, vector<16xi32>,
          %sub3A_100 = arith.constant 1 : i32
          %sub3A_101 = vector.broadcast %sub3A_100 : i32 to vector<16xi32>
          %sub3A_102 = arith.subi %iota3A, %sub3A_101 : vector<16xi32>
          %max3A = arith.constant 0 : i32
          %max3A_103 = vector.broadcast %max3A : i32 to vector<16xi32>
          %max3A_104 = arith.maxsi %sub3A_102, %max3A_103 : vector<16xi32>
          %gather3A = tpu.vector_load_idx %arg17[%max3A_104] : memref<16xi32, #tpu.memory_space<vmem>>[vector<16xi32>], vector<16xi32>,
          %add3A_105 = arith.constant 1 : i32
          %add3A_106 = vector.broadcast %add3A_105 : i32 to vector<16xi32>
          %add3A_107 = arith.addi %iota3A, %add3A_106 : vector<16xi32>
          %min3A = arith.constant 15 : i32
          %min3A_108 = vector.broadcast %min3A : i32 to vector<16xi32>
          %min3A_109 = arith.minsi %add3A_107, %min3A_108 : vector<16xi32>
          %gather3A_110 = tpu.vector_load_idx %arg17[%min3A_109] : memref<16xi32, #tpu.memory_space<vmem>>[vector<16xi32>], vector<16xi32>,
          %ne3A = arith.cmpi ne, %shift_right_logical3A_98, %gather3A : vector<16xi32>
          %eq3A_111 = arith.constant 0 : i32
          %eq3A_112 = vector.broadcast %eq3A_111 : i32 to vector<16xi32>
          %eq3A_113 = arith.cmpi eq, %iota3A, %eq3A_112 : vector<16xi32>
          %or3A = arith.ori %ne3A, %eq3A_113 : vector<16xi1>
          %ne3A_114 = arith.cmpi ne, %shift_right_logical3A_98, %gather3A_110 : vector<16xi32>
          %eq3A_115 = arith.constant 15 : i32
          %eq3A_116 = vector.broadcast %eq3A_115 : i32 to vector<16xi32>
          %eq3A_117 = arith.cmpi eq, %iota3A, %eq3A_116 : vector<16xi32>
          %or3A_118 = arith.ori %ne3A_114, %eq3A_117 : vector<16xi1>
          %jit3A = arith.constant 0 : i32
          %broadcast_in_dim3A_119 = vector.broadcast %jit3A : i32 to vector<16xi32>
          %select_n3A = arith.select %or3A, %iota3A, %broadcast_in_dim3A_119 : vector<16xi1>, vector<16xi32>
          %broadcast_in_dim3A_120 = arith.constant true
          %broadcast_in_dim3A_121 = vector.broadcast %broadcast_in_dim3A_120 : i1 to vector<16xi1>
          %masked_cummax3A = arith.constant -2147483648 : i32
          %masked_cummax3A_122 = vector.broadcast %masked_cummax3A : i32 to vector<16xi32>
          %masked_cummax3A_123 = arith.xori %select_n3A, %masked_cummax3A_122 : vector<16xi32>
          %masked_cummax3A_124 = tpu.scan <max>, %masked_cummax3A_123 masked %broadcast_in_dim3A_121 : vector<16xi32>, vector<16xi1> -> vector<16xi32>
          %masked_cummax3A_125 = arith.xori %masked_cummax3A_124, %masked_cummax3A_122 : vector<16xi32>
          %sub3A_126 = arith.subi %iota3A, %masked_cummax3A_125 : vector<16xi32>
          %add3A_127 = arith.constant 1 : i32
          %add3A_128 = vector.broadcast %add3A_127 : i32 to vector<16xi32>
          %add3A_129 = arith.addi %sub3A_126, %add3A_128 : vector<16xi32>
          tpu.vector_store_idx %arg9[%shift_right_logical3A_98], %add3A_129 masked %or3A_118 {add = true} : memref<65536xi32, #tpu.memory_space<vmem>>[vector<16xi32>], vector<16xi32>, vector<16xi1>
          %scan3A_130 = arith.constant 0 : i32
          scf.yield %scan3A_130 : i32
        }
        %scan3A_72 = arith.constant 625 : i32
        %scan3A_73 = arith.constant 0 : i32
        scf.yield %scan3A_73 : i32
      }
      %scan3A_45 = arith.constant 10 : i32
      %scan3A_46 = arith.constant 0 : i32
      %scan3A_47 = arith.constant 0 : i32
      %scan3A_48 = arith.constant 4096 : i32
      %scan3A_49 = arith.addi %scan3A_47, %scan3A_48 : i32
      %scan3A_50 = arith.constant 4 : i32
      %scan3A_51 = scf.for %scan3A_61 = %scan3A_47 to %scan3A_49 step %scan3A_50 iter_args(%scan3A_62 = %scan3A_46) -> (i32)  : i32 {
        %mul3A_63 = arith.constant 16 : i32
        %mul3A_64 = arith.muli %scan3A_61, %mul3A_63 : i32
        %get3A = arith.index_cast %mul3A_64 : i32 to index
        %get3A_65 = tpu.vector_load %arg9[%get3A] {strides = array<i32>} : memref<65536xi32, #tpu.memory_space<vmem>>, vector<16xi32>,
        %broadcast_in_dim3A_66 = arith.constant true
        %broadcast_in_dim3A_67 = vector.broadcast %broadcast_in_dim3A_66 : i1 to vector<16xi1>
        %masked_cumsum3A = tpu.scan <sum>, %get3A_65 masked %broadcast_in_dim3A_67 : vector<16xi32>, vector<16xi1> -> vector<16xi32>
        %sub3A = arith.subi %masked_cumsum3A, %get3A_65 : vector<16xi32>
        %add3A_68 = vector.broadcast %scan3A_62 : i32 to vector<16xi32>
        %add3A_69 = arith.addi %sub3A, %add3A_68 : vector<16xi32>
        %mul3A_70 = arith.constant 16 : i32
        %mul3A_71 = arith.muli %scan3A_61, %mul3A_70 : i32
        %swap3A = arith.index_cast %mul3A_71 : i32 to index
        %swap3A_72 = tpu.vector_load %arg9[%swap3A] {strides = array<i32>} : memref<65536xi32, #tpu.memory_space<vmem>>, vector<16xi32>,
        tpu.vector_store %arg9[%swap3A], %add3A_69 {strides = array<i32>} : memref<65536xi32, #tpu.memory_space<vmem>>, vector<16xi32>,
        %reduce_max3A = arith.constant true
        %reduce_max3A_73 = vector.broadcast %reduce_max3A : i1 to vector<16xi1>
        %reduce_max3A_74 = arith.constant -2147483648 : i32
        %reduce_max3A_75 = vector.broadcast %reduce_max3A_74 : i32 to vector<16xi32>
        %reduce_max3A_76 = arith.xori %masked_cumsum3A, %reduce_max3A_75 : vector<16xi32>
        %reduce_max3A_77 = tpu.scan <max>, %reduce_max3A_76 masked %reduce_max3A_73 : vector<16xi32>, vector<16xi1> -> vector<16xi32>
        %reduce_max3A_78 = arith.xori %reduce_max3A_77, %reduce_max3A_75 : vector<16xi32>
        %reduce_max3A_79 = vector.extract %reduce_max3A_78[15] : i32 from vector<16xi32>
        %add3A_80 = arith.addi %scan3A_62, %reduce_max3A_79 : i32
        %scan3A_81 = arith.constant 1 : i32
        %scan3A_82 = arith.addi %scan3A_61, %scan3A_81 : i32
        %mul3A_83 = arith.constant 16 : i32
        %mul3A_84 = arith.muli %scan3A_82, %mul3A_83 : i32
        %get3A_85 = arith.index_cast %mul3A_84 : i32 to index
        %get3A_86 = tpu.vector_load %arg9[%get3A_85] {strides = array<i32>} : memref<65536xi32, #tpu.memory_space<vmem>>, vector<16xi32>,
        %broadcast_in_dim3A_87 = arith.constant true
        %broadcast_in_dim3A_88 = vector.broadcast %broadcast_in_dim3A_87 : i1 to vector<16xi1>
        %masked_cumsum3A_89 = tpu.scan <sum>, %get3A_86 masked %broadcast_in_dim3A_88 : vector<16xi32>, vector<16xi1> -> vector<16xi32>
        %sub3A_90 = arith.subi %masked_cumsum3A_89, %get3A_86 : vector<16xi32>
        %add3A_91 = vector.broadcast %add3A_80 : i32 to vector<16xi32>
        %add3A_92 = arith.addi %sub3A_90, %add3A_91 : vector<16xi32>
        %mul3A_93 = arith.constant 16 : i32
        %mul3A_94 = arith.muli %scan3A_82, %mul3A_93 : i32
        %swap3A_95 = arith.index_cast %mul3A_94 : i32 to index
        %swap3A_96 = tpu.vector_load %arg9[%swap3A_95] {strides = array<i32>} : memref<65536xi32, #tpu.memory_space<vmem>>, vector<16xi32>,
        tpu.vector_store %arg9[%swap3A_95], %add3A_92 {strides = array<i32>} : memref<65536xi32, #tpu.memory_space<vmem>>, vector<16xi32>,
        %reduce_max3A_97 = arith.constant true
        %reduce_max3A_98 = vector.broadcast %reduce_max3A_97 : i1 to vector<16xi1>
        %reduce_max3A_99 = arith.constant -2147483648 : i32
        %reduce_max3A_100 = vector.broadcast %reduce_max3A_99 : i32 to vector<16xi32>
        %reduce_max3A_101 = arith.xori %masked_cumsum3A_89, %reduce_max3A_100 : vector<16xi32>
        %reduce_max3A_102 = tpu.scan <max>, %reduce_max3A_101 masked %reduce_max3A_98 : vector<16xi32>, vector<16xi1> -> vector<16xi32>
        %reduce_max3A_103 = arith.xori %reduce_max3A_102, %reduce_max3A_100 : vector<16xi32>
        %reduce_max3A_104 = vector.extract %reduce_max3A_103[15] : i32 from vector<16xi32>
        %add3A_105 = arith.addi %add3A_80, %reduce_max3A_104 : i32
        %scan3A_106 = arith.constant 2 : i32
        %scan3A_107 = arith.addi %scan3A_61, %scan3A_106 : i32
        %mul3A_108 = arith.constant 16 : i32
        %mul3A_109 = arith.muli %scan3A_107, %mul3A_108 : i32
        %get3A_110 = arith.index_cast %mul3A_109 : i32 to index
        %get3A_111 = tpu.vector_load %arg9[%get3A_110] {strides = array<i32>} : memref<65536xi32, #tpu.memory_space<vmem>>, vector<16xi32>,
        %broadcast_in_dim3A_112 = arith.constant true
        %broadcast_in_dim3A_113 = vector.broadcast %broadcast_in_dim3A_112 : i1 to vector<16xi1>
        %masked_cumsum3A_114 = tpu.scan <sum>, %get3A_111 masked %broadcast_in_dim3A_113 : vector<16xi32>, vector<16xi1> -> vector<16xi32>
        %sub3A_115 = arith.subi %masked_cumsum3A_114, %get3A_111 : vector<16xi32>
        %add3A_116 = vector.broadcast %add3A_105 : i32 to vector<16xi32>
        %add3A_117 = arith.addi %sub3A_115, %add3A_116 : vector<16xi32>
        %mul3A_118 = arith.constant 16 : i32
        %mul3A_119 = arith.muli %scan3A_107, %mul3A_118 : i32
        %swap3A_120 = arith.index_cast %mul3A_119 : i32 to index
        %swap3A_121 = tpu.vector_load %arg9[%swap3A_120] {strides = array<i32>} : memref<65536xi32, #tpu.memory_space<vmem>>, vector<16xi32>,
        tpu.vector_store %arg9[%swap3A_120], %add3A_117 {strides = array<i32>} : memref<65536xi32, #tpu.memory_space<vmem>>, vector<16xi32>,
        %reduce_max3A_122 = arith.constant true
        %reduce_max3A_123 = vector.broadcast %reduce_max3A_122 : i1 to vector<16xi1>
        %reduce_max3A_124 = arith.constant -2147483648 : i32
        %reduce_max3A_125 = vector.broadcast %reduce_max3A_124 : i32 to vector<16xi32>
        %reduce_max3A_126 = arith.xori %masked_cumsum3A_114, %reduce_max3A_125 : vector<16xi32>
        %reduce_max3A_127 = tpu.scan <max>, %reduce_max3A_126 masked %reduce_max3A_123 : vector<16xi32>, vector<16xi1> -> vector<16xi32>
        %reduce_max3A_128 = arith.xori %reduce_max3A_127, %reduce_max3A_125 : vector<16xi32>
        %reduce_max3A_129 = vector.extract %reduce_max3A_128[15] : i32 from vector<16xi32>
        %add3A_130 = arith.addi %add3A_105, %reduce_max3A_129 : i32
        %scan3A_131 = arith.constant 3 : i32
        %scan3A_132 = arith.addi %scan3A_61, %scan3A_131 : i32
        %mul3A_133 = arith.constant 16 : i32
        %mul3A_134 = arith.muli %scan3A_132, %mul3A_133 : i32
        %get3A_135 = arith.index_cast %mul3A_134 : i32 to index
        %get3A_136 = tpu.vector_load %arg9[%get3A_135] {strides = array<i32>} : memref<65536xi32, #tpu.memory_space<vmem>>, vector<16xi32>,
        %broadcast_in_dim3A_137 = arith.constant true
        %broadcast_in_dim3A_138 = vector.broadcast %broadcast_in_dim3A_137 : i1 to vector<16xi1>
        %masked_cumsum3A_139 = tpu.scan <sum>, %get3A_136 masked %broadcast_in_dim3A_138 : vector<16xi32>, vector<16xi1> -> vector<16xi32>
        %sub3A_140 = arith.subi %masked_cumsum3A_139, %get3A_136 : vector<16xi32>
        %add3A_141 = vector.broadcast %add3A_130 : i32 to vector<16xi32>
        %add3A_142 = arith.addi %sub3A_140, %add3A_141 : vector<16xi32>
        %mul3A_143 = arith.constant 16 : i32
        %mul3A_144 = arith.muli %scan3A_132, %mul3A_143 : i32
        %swap3A_145 = arith.index_cast %mul3A_144 : i32 to index
        %swap3A_146 = tpu.vector_load %arg9[%swap3A_145] {strides = array<i32>} : memref<65536xi32, #tpu.memory_space<vmem>>, vector<16xi32>,
        tpu.vector_store %arg9[%swap3A_145], %add3A_142 {strides = array<i32>} : memref<65536xi32, #tpu.memory_space<vmem>>, vector<16xi32>,
        %reduce_max3A_147 = arith.constant true
        %reduce_max3A_148 = vector.broadcast %reduce_max3A_147 : i1 to vector<16xi1>
        %reduce_max3A_149 = arith.constant -2147483648 : i32
        %reduce_max3A_150 = vector.broadcast %reduce_max3A_149 : i32 to vector<16xi32>
        %reduce_max3A_151 = arith.xori %masked_cumsum3A_139, %reduce_max3A_150 : vector<16xi32>
        %reduce_max3A_152 = tpu.scan <max>, %reduce_max3A_151 masked %reduce_max3A_148 : vector<16xi32>, vector<16xi1> -> vector<16xi32>
        %reduce_max3A_153 = arith.xori %reduce_max3A_152, %reduce_max3A_150 : vector<16xi32>
        %reduce_max3A_154 = vector.extract %reduce_max3A_153[15] : i32 from vector<16xi32>
        %add3A_155 = arith.addi %add3A_130, %reduce_max3A_154 : i32
        scf.yield %add3A_155 : i32
      }
      %scan3A_52 = arith.constant 4096 : i32
      %scan3A_53 = arith.constant 0 : i32
      %scan3A_54 = arith.constant 0 : i32
      %scan3A_55 = arith.constant 10 : i32
      %scan3A_56 = arith.addi %scan3A_54, %scan3A_55 : i32
      %scan3A_57 = arith.constant 1 : i32
      %scan3A_58 = scf.for %scan3A_61 = %scan3A_54 to %scan3A_56 step %scan3A_57 iter_args(%scan3A_62 = %scan3A_53) -> (i32)  : i32 {
        %mul3A_63 = arith.constant 10000 : i32
        %mul3A_64 = arith.muli %scan3A_61, %mul3A_63 : i32
        %add3A_65 = arith.addi %mul3A_31, %mul3A_64 : i32
        %multiple_of3A = tpu.assume_multiple %add3A_65, 8 : i32
        "tpu.region"() ({
          %run_scoped3A = tpu.sem_alloc : memref<!tpu.dma_semaphore, #tpu.memory_space<semaphore_mem>>
          %dma_start3A = tpu.memref_slice %arg5[%multiple_of3A] : memref<6400000xf32, #tpu.memory_space<hbm>> -> memref<10000xf32, #tpu.memory_space<hbm>>
          %dma_start3A_74 = tpu.memref_slice %arg5[%multiple_of3A] : memref<6400000xf32, #tpu.memory_space<hbm>> -> memref<10000xf32, #tpu.memory_space<hbm>>
          tpu.enqueue_dma source(%dma_start3A_74 : memref<10000xf32, #tpu.memory_space<hbm>>) target(%arg10 : memref<10000xf32, #tpu.memory_space<vmem>>) target_semaphore(%run_scoped3A : memref<!tpu.dma_semaphore, #tpu.memory_space<semaphore_mem>>)
          %dma_wait3A = tpu.memref_slice %arg5[%multiple_of3A] : memref<6400000xf32, #tpu.memory_space<hbm>> -> memref<10000xf32, #tpu.memory_space<hbm>>
          %dma_wait3A_75 = tpu.memref_slice %arg5[%multiple_of3A] : memref<6400000xf32, #tpu.memory_space<hbm>> -> memref<10000xf32, #tpu.memory_space<hbm>>
          tpu.wait_dma2 semaphore(%run_scoped3A : memref<!tpu.dma_semaphore, #tpu.memory_space<semaphore_mem>>) src(%dma_wait3A_75 : memref<10000xf32, #tpu.memory_space<hbm>>) dst(%arg10 : memref<10000xf32, #tpu.memory_space<vmem>>)
          tpu.yield
        }) : () -> ()
        "tpu.region"() ({
          %run_scoped3A = tpu.sem_alloc : memref<!tpu.dma_semaphore, #tpu.memory_space<semaphore_mem>>
          %dma_start3A = tpu.memref_slice %arg6[%multiple_of3A] : memref<6400000xi32, #tpu.memory_space<hbm>> -> memref<10000xi32, #tpu.memory_space<hbm>>
          %dma_start3A_74 = tpu.memref_slice %arg6[%multiple_of3A] : memref<6400000xi32, #tpu.memory_space<hbm>> -> memref<10000xi32, #tpu.memory_space<hbm>>
          tpu.enqueue_dma source(%dma_start3A_74 : memref<10000xi32, #tpu.memory_space<hbm>>) target(%arg11 : memref<10000xi32, #tpu.memory_space<vmem>>) target_semaphore(%run_scoped3A : memref<!tpu.dma_semaphore, #tpu.memory_space<semaphore_mem>>)
          %dma_wait3A = tpu.memref_slice %arg6[%multiple_of3A] : memref<6400000xi32, #tpu.memory_space<hbm>> -> memref<10000xi32, #tpu.memory_space<hbm>>
          %dma_wait3A_75 = tpu.memref_slice %arg6[%multiple_of3A] : memref<6400000xi32, #tpu.memory_space<hbm>> -> memref<10000xi32, #tpu.memory_space<hbm>>
          tpu.wait_dma2 semaphore(%run_scoped3A : memref<!tpu.dma_semaphore, #tpu.memory_space<semaphore_mem>>) src(%dma_wait3A_75 : memref<10000xi32, #tpu.memory_space<hbm>>) dst(%arg11 : memref<10000xi32, #tpu.memory_space<vmem>>)
          tpu.yield
        }) : () -> ()
        %scan3A_66 = arith.constant 0 : i32
        %scan3A_67 = arith.constant 0 : i32
        %scan3A_68 = arith.constant 625 : i32
        %scan3A_69 = arith.addi %scan3A_67, %scan3A_68 : i32
        %scan3A_70 = arith.constant 1 : i32
        %scan3A_71 = scf.for %scan3A_74 = %scan3A_67 to %scan3A_69 step %scan3A_70 iter_args(%scan3A_75 = %scan3A_66) -> (i32)  : i32 {
          %mul3A_76 = arith.constant 16 : i32
          %mul3A_77 = arith.muli %scan3A_74, %mul3A_76 : i32
          %get3A = arith.index_cast %mul3A_77 : i32 to index
          %get3A_78 = tpu.vector_load %arg10[%get3A] {strides = array<i32>} : memref<10000xf32, #tpu.memory_space<vmem>>, vector<16xf32>,
          %bitcast3A = vector.bitcast %get3A_78 : vector<16xf32> to vector<16xi32>
          %shift_right_logical3A = arith.constant 16 : i32
          %shift_right_logical3A_79 = vector.broadcast %shift_right_logical3A : i32 to vector<16xi32>
          %shift_right_logical3A_80 = arith.shrui %bitcast3A, %shift_right_logical3A_79 : vector<16xi32>
          %and3A = arith.constant 65535 : i32
          %and3A_81 = vector.broadcast %and3A : i32 to vector<16xi32>
          %and3A_82 = arith.andi %shift_right_logical3A_80, %and3A_81 : vector<16xi32>
          %sub3A = arith.constant 65535 : i32
          %sub3A_83 = vector.broadcast %sub3A : i32 to vector<16xi32>
          %sub3A_84 = arith.subi %sub3A_83, %and3A_82 : vector<16xi32>
          %mul3A_85 = arith.constant 16 : i32
          %mul3A_86 = vector.broadcast %mul3A_85 : i32 to vector<16xi32>
          %mul3A_87 = arith.muli %sub3A_84, %mul3A_86 : vector<16xi32>
          %add3A_88 = arith.addi %mul3A_87, %iota3A : vector<16xi32>
          %masked_sort3A = arith.constant dense<true> : vector<16xi1>
          %masked_sort3A_89 = arith.constant -2147483648 : i32
          %masked_sort3A_90 = vector.broadcast %masked_sort3A_89 : i32 to vector<16xi32>
          %masked_sort3A_91 = arith.xori %add3A_88, %masked_sort3A_90 : vector<16xi32>
          %masked_sort3A_92, %masked_sort3A_93, %masked_sort3A_94 = tpu.sort %masked_sort3A_91, %iota3A masked %masked_sort3A : (vector<16xi32>, vector<16xi32>, vector<16xi1>) -> (vector<16xi1>, vector<16xi32>, vector<16xi32>)
          %masked_sort3A_95 = arith.xori %masked_sort3A_93, %masked_sort3A_90 : vector<16xi32>
          %shift_right_logical3A_96 = arith.constant 4 : i32
          %shift_right_logical3A_97 = vector.broadcast %shift_right_logical3A_96 : i32 to vector<16xi32>
          %shift_right_logical3A_98 = arith.shrui %masked_sort3A_95, %shift_right_logical3A_97 : vector<16xi32>
          %swap3A = arith.constant 0 : index
          %swap3A_99 = tpu.vector_load %arg17[%swap3A] {strides = array<i32>} : memref<16xi32, #tpu.memory_space<vmem>>, vector<16xi32>,
          tpu.vector_store %arg17[%swap3A], %shift_right_logical3A_98 {strides = array<i32>} : memref<16xi32, #tpu.memory_space<vmem>>, vector<16xi32>,
          %sub3A_100 = arith.constant 1 : i32
          %sub3A_101 = vector.broadcast %sub3A_100 : i32 to vector<16xi32>
          %sub3A_102 = arith.subi %iota3A, %sub3A_101 : vector<16xi32>
          %max3A = arith.constant 0 : i32
          %max3A_103 = vector.broadcast %max3A : i32 to vector<16xi32>
          %max3A_104 = arith.maxsi %sub3A_102, %max3A_103 : vector<16xi32>
          %gather3A = tpu.vector_load_idx %arg17[%max3A_104] : memref<16xi32, #tpu.memory_space<vmem>>[vector<16xi32>], vector<16xi32>,
          %add3A_105 = arith.constant 1 : i32
          %add3A_106 = vector.broadcast %add3A_105 : i32 to vector<16xi32>
          %add3A_107 = arith.addi %iota3A, %add3A_106 : vector<16xi32>
          %min3A = arith.constant 15 : i32
          %min3A_108 = vector.broadcast %min3A : i32 to vector<16xi32>
          %min3A_109 = arith.minsi %add3A_107, %min3A_108 : vector<16xi32>
          %gather3A_110 = tpu.vector_load_idx %arg17[%min3A_109] : memref<16xi32, #tpu.memory_space<vmem>>[vector<16xi32>], vector<16xi32>,
          %ne3A = arith.cmpi ne, %shift_right_logical3A_98, %gather3A : vector<16xi32>
          %eq3A_111 = arith.constant 0 : i32
          %eq3A_112 = vector.broadcast %eq3A_111 : i32 to vector<16xi32>
          %eq3A_113 = arith.cmpi eq, %iota3A, %eq3A_112 : vector<16xi32>
          %or3A = arith.ori %ne3A, %eq3A_113 : vector<16xi1>
          %ne3A_114 = arith.cmpi ne, %shift_right_logical3A_98, %gather3A_110 : vector<16xi32>
          %eq3A_115 = arith.constant 15 : i32
          %eq3A_116 = vector.broadcast %eq3A_115 : i32 to vector<16xi32>
          %eq3A_117 = arith.cmpi eq, %iota3A, %eq3A_116 : vector<16xi32>
          %or3A_118 = arith.ori %ne3A_114, %eq3A_117 : vector<16xi1>
          %jit3A = arith.constant 0 : i32
          %broadcast_in_dim3A_119 = vector.broadcast %jit3A : i32 to vector<16xi32>
          %select_n3A = arith.select %or3A, %iota3A, %broadcast_in_dim3A_119 : vector<16xi1>, vector<16xi32>
          %broadcast_in_dim3A_120 = arith.constant true
          %broadcast_in_dim3A_121 = vector.broadcast %broadcast_in_dim3A_120 : i1 to vector<16xi1>
          %masked_cummax3A = arith.constant -2147483648 : i32
          %masked_cummax3A_122 = vector.broadcast %masked_cummax3A : i32 to vector<16xi32>
          %masked_cummax3A_123 = arith.xori %select_n3A, %masked_cummax3A_122 : vector<16xi32>
          %masked_cummax3A_124 = tpu.scan <max>, %masked_cummax3A_123 masked %broadcast_in_dim3A_121 : vector<16xi32>, vector<16xi1> -> vector<16xi32>
          %masked_cummax3A_125 = arith.xori %masked_cummax3A_124, %masked_cummax3A_122 : vector<16xi32>
          %sub3A_126 = arith.subi %iota3A, %masked_cummax3A_125 : vector<16xi32>
          %gather3A_127 = tpu.vector_load_idx %arg9[%shift_right_logical3A_98] : memref<65536xi32, #tpu.memory_space<vmem>>[vector<16xi32>], vector<16xi32>,
          %add3A_128 = arith.constant 1 : i32
          %add3A_129 = vector.broadcast %add3A_128 : i32 to vector<16xi32>
          %add3A_130 = arith.addi %sub3A_126, %add3A_129 : vector<16xi32>
          tpu.vector_store_idx %arg9[%shift_right_logical3A_98], %add3A_130 masked %or3A_118 {add = true} : memref<65536xi32, #tpu.memory_space<vmem>>[vector<16xi32>], vector<16xi32>, vector<16xi1>
          %mul3A_131 = arith.constant 16 : i32
          %mul3A_132 = arith.muli %scan3A_74, %mul3A_131 : i32
          %add3A_133 = vector.broadcast %mul3A_132 : i32 to vector<16xi32>
          %add3A_134 = arith.addi %add3A_133, %masked_sort3A_94 : vector<16xi32>
          %gather3A_135 = tpu.vector_load_idx %arg10[%add3A_134] : memref<10000xf32, #tpu.memory_space<vmem>>[vector<16xi32>], vector<16xf32>,
          %mul3A_136 = arith.constant 16 : i32
          %mul3A_137 = arith.muli %scan3A_74, %mul3A_136 : i32
          %swap3A_138 = arith.index_cast %mul3A_137 : i32 to index
          %swap3A_139 = tpu.vector_load %arg13[%swap3A_138] {strides = array<i32>} : memref<10000xf32, #tpu.memory_space<vmem>>, vector<16xf32>,
          tpu.vector_store %arg13[%swap3A_138], %gather3A_135 {strides = array<i32>} : memref<10000xf32, #tpu.memory_space<vmem>>, vector<16xf32>,
          %add3A_140 = arith.addi %gather3A_127, %sub3A_126 : vector<16xi32>
          %add3A_141 = vector.broadcast %mul3A_31 : i32 to vector<16xi32>
          %add3A_142 = arith.addi %add3A_140, %add3A_141 : vector<16xi32>
          %mul3A_143 = arith.constant 16 : i32
          %mul3A_144 = arith.muli %scan3A_74, %mul3A_143 : i32
          %swap3A_145 = arith.index_cast %mul3A_144 : i32 to index
          %swap3A_146 = tpu.vector_load %arg15[%swap3A_145] {strides = array<i32>} : memref<10000xi32, #tpu.memory_space<vmem>>, vector<16xi32>,
          tpu.vector_store %arg15[%swap3A_145], %add3A_142 {strides = array<i32>} : memref<10000xi32, #tpu.memory_space<vmem>>, vector<16xi32>,
          %gather3A_147 = tpu.vector_load_idx %arg11[%add3A_134] : memref<10000xi32, #tpu.memory_space<vmem>>[vector<16xi32>], vector<16xi32>,
          %mul3A_148 = arith.constant 16 : i32
          %mul3A_149 = arith.muli %scan3A_74, %mul3A_148 : i32
          %swap3A_150 = arith.index_cast %mul3A_149 : i32 to index
          %swap3A_151 = tpu.vector_load %arg14[%swap3A_150] {strides = array<i32>} : memref<10000xi32, #tpu.memory_space<vmem>>, vector<16xi32>,
          tpu.vector_store %arg14[%swap3A_150], %gather3A_147 {strides = array<i32>} : memref<10000xi32, #tpu.memory_space<vmem>>, vector<16xi32>,
          %scan3A_152 = arith.constant 0 : i32
          scf.yield %scan3A_152 : i32
        }
        %scan3A_72 = arith.constant 625 : i32
        "tpu.region"() ({
          %run_scoped3A = tpu.sem_alloc : memref<!tpu.dma_semaphore, #tpu.memory_space<semaphore_mem>>
          %dma_start3A = arith.constant 0 : i32
          %dma_start3A_74 = tpu.memref_slice %arg7[%dma_start3A] : memref<6400000xf32, #tpu.memory_space<hbm>> -> memref<6400000xf32, #tpu.memory_space<hbm>>
          tpu.enqueue_indirect_dma source(%arg13 : memref<10000xf32, #tpu.memory_space<vmem>>) target(%dma_start3A_74 : memref<6400000xf32, #tpu.memory_space<hbm>>) offsets(%arg15 : memref<10000xi32, #tpu.memory_space<vmem>>) semaphore(%run_scoped3A : memref<!tpu.dma_semaphore, #tpu.memory_space<semaphore_mem>>)
          %dma_wait3A = arith.constant 0 : i32
          %dma_wait3A_75 = tpu.memref_slice %arg7[%dma_wait3A] : memref<6400000xf32, #tpu.memory_space<hbm>> -> memref<6400000xf32, #tpu.memory_space<hbm>>
          tpu.wait_indirect_dma semaphore(%run_scoped3A : memref<!tpu.dma_semaphore, #tpu.memory_space<semaphore_mem>>) src(%arg13 : memref<10000xf32, #tpu.memory_space<vmem>>) dst(%dma_wait3A_75 : memref<6400000xf32, #tpu.memory_space<hbm>>)
          tpu.yield
        }) : () -> ()
        "tpu.region"() ({
          %run_scoped3A = tpu.sem_alloc : memref<!tpu.dma_semaphore, #tpu.memory_space<semaphore_mem>>
          %dma_start3A = arith.constant 0 : i32
          %dma_start3A_74 = tpu.memref_slice %arg8[%dma_start3A] : memref<6400000xi32, #tpu.memory_space<hbm>> -> memref<6400000xi32, #tpu.memory_space<hbm>>
          tpu.enqueue_indirect_dma source(%arg14 : memref<10000xi32, #tpu.memory_space<vmem>>) target(%dma_start3A_74 : memref<6400000xi32, #tpu.memory_space<hbm>>) offsets(%arg15 : memref<10000xi32, #tpu.memory_space<vmem>>) semaphore(%run_scoped3A : memref<!tpu.dma_semaphore, #tpu.memory_space<semaphore_mem>>)
          %dma_wait3A = arith.constant 0 : i32
          %dma_wait3A_75 = tpu.memref_slice %arg8[%dma_wait3A] : memref<6400000xi32, #tpu.memory_space<hbm>> -> memref<6400000xi32, #tpu.memory_space<hbm>>
          tpu.wait_indirect_dma semaphore(%run_scoped3A : memref<!tpu.dma_semaphore, #tpu.memory_space<semaphore_mem>>) src(%arg14 : memref<10000xi32, #tpu.memory_space<vmem>>) dst(%dma_wait3A_75 : memref<6400000xi32, #tpu.memory_space<hbm>>)
          tpu.yield
        }) : () -> ()
        %scan3A_73 = arith.constant 0 : i32
        scf.yield %scan3A_73 : i32
      }
      %scan3A_59 = arith.constant 10 : i32
      %scan3A_60 = arith.constant 0 : i32
      scf.yield %scan3A_60 : i32
    }
    %scan3A_16 = arith.constant 2 : i32
    %barrier3A_17 = arith.constant 0 : index
    tpu.barrier barrier_id(%barrier3A_17)
    %scan3A_18 = arith.constant 0 : i32
    %scan3A_19 = arith.constant 0 : i32
    %scan3A_20 = arith.constant 2 : i32
    %scan3A_21 = arith.addi %scan3A_19, %scan3A_20 : i32
    %scan3A_22 = arith.constant 1 : i32
    %scan3A_23 = scf.for %scan3A_25 = %scan3A_19 to %scan3A_21 step %scan3A_22 iter_args(%scan3A_26 = %scan3A_18) -> (i32)  : i32 {
      %mul3A_27 = arith.constant 32 : i32
      %mul3A_28 = arith.muli %mul3A_27, %scan3A_25 : i32
      %add3A_29 = arith.addi %add3A, %mul3A_28 : i32
      %mul3A_30 = arith.constant 100000 : i32
      %mul3A_31 = arith.muli %add3A_29, %mul3A_30 : i32
      %scan3A_32 = arith.constant 0.000000e+00 : f32
      %scan3A_33 = arith.constant 0 : i32
      %scan3A_34 = arith.constant 99999 : i32
      %scan3A_35 = arith.constant 1.000000e+00 : f32
      %scan3A_36 = arith.constant 0 : i32
      %scan3A_37 = arith.constant 10 : i32
      %scan3A_38 = arith.addi %scan3A_36, %scan3A_37 : i32
      %scan3A_39 = arith.constant 1 : i32
      %scan3A_40:4 = scf.for %scan3A_125 = %scan3A_36 to %scan3A_38 step %scan3A_39 iter_args(%scan3A_126 = %scan3A_32, %scan3A_127 = %scan3A_33, %scan3A_128 = %scan3A_34, %scan3A_129 = %scan3A_35) -> (f32, i32, i32, f32)  : i32 {
        %mul3A_130 = arith.constant 10000 : i32
        %mul3A_131 = arith.muli %scan3A_125, %mul3A_130 : i32
        %add3A_132 = arith.addi %mul3A_31, %mul3A_131 : i32
        %multiple_of3A = tpu.assume_multiple %add3A_132, 8 : i32
        "tpu.region"() ({
          %run_scoped3A = tpu.sem_alloc : memref<!tpu.dma_semaphore, #tpu.memory_space<semaphore_mem>>
          %dma_start3A = tpu.memref_slice %arg7[%multiple_of3A] : memref<6400000xf32, #tpu.memory_space<hbm>> -> memref<10000xf32, #tpu.memory_space<hbm>>
          %dma_start3A_139 = tpu.memref_slice %arg7[%multiple_of3A] : memref<6400000xf32, #tpu.memory_space<hbm>> -> memref<10000xf32, #tpu.memory_space<hbm>>
          tpu.enqueue_dma source(%dma_start3A_139 : memref<10000xf32, #tpu.memory_space<hbm>>) target(%arg10 : memref<10000xf32, #tpu.memory_space<vmem>>) target_semaphore(%run_scoped3A : memref<!tpu.dma_semaphore, #tpu.memory_space<semaphore_mem>>)
          %dma_wait3A = tpu.memref_slice %arg7[%multiple_of3A] : memref<6400000xf32, #tpu.memory_space<hbm>> -> memref<10000xf32, #tpu.memory_space<hbm>>
          %dma_wait3A_140 = tpu.memref_slice %arg7[%multiple_of3A] : memref<6400000xf32, #tpu.memory_space<hbm>> -> memref<10000xf32, #tpu.memory_space<hbm>>
          tpu.wait_dma2 semaphore(%run_scoped3A : memref<!tpu.dma_semaphore, #tpu.memory_space<semaphore_mem>>) src(%dma_wait3A_140 : memref<10000xf32, #tpu.memory_space<hbm>>) dst(%arg10 : memref<10000xf32, #tpu.memory_space<vmem>>)
          tpu.yield
        }) : () -> ()
        %scan3A_133 = arith.constant 0 : i32
        %scan3A_134 = arith.constant 625 : i32
        %scan3A_135 = arith.addi %scan3A_133, %scan3A_134 : i32
        %scan3A_136 = arith.constant 1 : i32
        %scan3A_137:4 = scf.for %scan3A_139 = %scan3A_133 to %scan3A_135 step %scan3A_136 iter_args(%scan3A_140 = %scan3A_126, %scan3A_141 = %scan3A_127, %scan3A_142 = %scan3A_128, %scan3A_143 = %scan3A_129) -> (f32, i32, i32, f32)  : i32 {
          %mul3A_144 = arith.constant 16 : i32
          %mul3A_145 = arith.muli %scan3A_139, %mul3A_144 : i32
          %get3A = arith.index_cast %mul3A_145 : i32 to index
          %get3A_146 = tpu.vector_load %arg10[%get3A] {strides = array<i32>} : memref<10000xf32, #tpu.memory_space<vmem>>, vector<16xf32>,
          %broadcast_in_dim3A_147 = arith.constant true
          %broadcast_in_dim3A_148 = vector.broadcast %broadcast_in_dim3A_147 : i1 to vector<16xi1>
          %masked_cumsum3A = tpu.scan <sum>, %get3A_146 masked %broadcast_in_dim3A_148 : vector<16xf32>, vector<16xi1> -> vector<16xf32>
          %add3A_149 = vector.broadcast %scan3A_140 : f32 to vector<16xf32>
          %add3A_150 = arith.addf %masked_cumsum3A, %add3A_149 : vector<16xf32>
          %ge3A = arith.constant 0.899999976 : f32
          %ge3A_151 = vector.broadcast %ge3A : f32 to vector<16xf32>
          %ge3A_152 = arith.cmpf oge, %add3A_150, %ge3A_151 : vector<16xf32>
          %convert_element_type3A = arith.extui %ge3A_152 : vector<16xi1> to vector<16xi32>
          %reduce_max3A_153 = arith.constant true
          %reduce_max3A_154 = vector.broadcast %reduce_max3A_153 : i1 to vector<16xi1>
          %reduce_max3A_155 = arith.constant -2147483648 : i32
          %reduce_max3A_156 = vector.broadcast %reduce_max3A_155 : i32 to vector<16xi32>
          %reduce_max3A_157 = arith.xori %convert_element_type3A, %reduce_max3A_156 : vector<16xi32>
          %reduce_max3A_158 = tpu.scan <max>, %reduce_max3A_157 masked %reduce_max3A_154 : vector<16xi32>, vector<16xi1> -> vector<16xi32>
          %reduce_max3A_159 = arith.xori %reduce_max3A_158, %reduce_max3A_156 : vector<16xi32>
          %reduce_max3A_160 = vector.extract %reduce_max3A_159[15] : i32 from vector<16xi32>
          %all_reduce_ffs3A = tpu.all_reduce %ge3A_152 {dim = 0 : i64, kind = #tpu.reduction_kind<find_first_set>} : vector<16xi1> -> vector<16xi32>
          %reduce_max3A_161 = arith.constant true
          %reduce_max3A_162 = vector.broadcast %reduce_max3A_161 : i1 to vector<16xi1>
          %reduce_max3A_163 = arith.constant -2147483648 : i32
          %reduce_max3A_164 = vector.broadcast %reduce_max3A_163 : i32 to vector<16xi32>
          %reduce_max3A_165 = arith.xori %all_reduce_ffs3A, %reduce_max3A_164 : vector<16xi32>
          %reduce_max3A_166 = tpu.scan <max>, %reduce_max3A_165 masked %reduce_max3A_162 : vector<16xi32>, vector<16xi1> -> vector<16xi32>
          %reduce_max3A_167 = arith.xori %reduce_max3A_166, %reduce_max3A_164 : vector<16xi32>
          %reduce_max3A_168 = vector.extract %reduce_max3A_167[15] : i32 from vector<16xi32>
          %min3A = arith.constant 15 : i32
          %min3A_169 = arith.minsi %reduce_max3A_168, %min3A : i32
          %swap3A_170 = arith.constant 0 : index
          %swap3A_171 = tpu.vector_load %arg16[%swap3A_170] {strides = array<i32>} : memref<16xf32, #tpu.memory_space<vmem>>, vector<16xf32>,
          tpu.vector_store %arg16[%swap3A_170], %add3A_150 {strides = array<i32>} : memref<16xf32, #tpu.memory_space<vmem>>, vector<16xf32>,
          %broadcast_in_dim3A_172 = vector.broadcast %min3A_169 : i32 to vector<16xi32>
          %gather3A = tpu.vector_load_idx %arg16[%broadcast_in_dim3A_172] : memref<16xf32, #tpu.memory_space<vmem>>[vector<16xi32>], vector<16xf32>,
          %reduce_max3A_173 = arith.constant true
          %reduce_max3A_174 = vector.broadcast %reduce_max3A_173 : i1 to vector<16xi1>
          %reduce_max3A_175 = tpu.scan <max>, %gather3A masked %reduce_max3A_174 : vector<16xf32>, vector<16xi1> -> vector<16xf32>
          %reduce_max3A_176 = vector.extract %reduce_max3A_175[15] : f32 from vector<16xf32>
          %eq3A_177 = arith.constant 0 : i32
          %eq3A_178 = arith.cmpi eq, %scan3A_141, %eq3A_177 : i32
          %eq3A_179 = arith.constant 1 : i32
          %eq3A_180 = arith.cmpi eq, %reduce_max3A_160, %eq3A_179 : i32
          %and3A_181 = arith.andi %eq3A_178, %eq3A_180 : i1
          %mul3A_182 = arith.constant 10000 : i32
          %mul3A_183 = arith.muli %scan3A_125, %mul3A_182 : i32
          %mul3A_184 = arith.constant 16 : i32
          %mul3A_185 = arith.muli %scan3A_139, %mul3A_184 : i32
          %add3A_186 = arith.addi %mul3A_183, %mul3A_185 : i32
          %add3A_187 = arith.addi %add3A_186, %min3A_169 : i32
          %select_n3A_188 = arith.select %and3A_181, %add3A_187, %scan3A_142 : i32
          %select_n3A_189 = arith.select %and3A_181, %reduce_max3A_176, %scan3A_143 : f32
          %or3A = arith.ori %scan3A_141, %reduce_max3A_160 : i32
          %reduce_max3A_190 = arith.constant true
          %reduce_max3A_191 = vector.broadcast %reduce_max3A_190 : i1 to vector<16xi1>
          %reduce_max3A_192 = tpu.scan <max>, %add3A_150 masked %reduce_max3A_191 : vector<16xf32>, vector<16xi1> -> vector<16xf32>
          %reduce_max3A_193 = vector.extract %reduce_max3A_192[15] : f32 from vector<16xf32>
          scf.yield %reduce_max3A_193, %or3A, %select_n3A_188, %select_n3A_189 : f32, i32, i32, f32
        }
        %scan3A_138 = arith.constant 625 : i32
        scf.yield %scan3A_137#0, %scan3A_137#1, %scan3A_137#2, %scan3A_137#3 : f32, i32, i32, f32
      }
      %scan3A_41 = arith.constant 10 : i32
      %mul3A_42 = arith.constant 1.000000e-30 : f32
      %mul3A_43 = arith.mulf %mul3A_42, %scan3A_40#3 : f32
      %broadcast_in_dim3A_44 = arith.constant -1.000000e+00 : f32
      %broadcast_in_dim3A_45 = vector.broadcast %broadcast_in_dim3A_44 : f32 to vector<16xf32>
      %scan3A_46 = arith.constant 0 : i32
      %scan3A_47 = arith.constant 10 : i32
      %scan3A_48 = arith.addi %scan3A_46, %scan3A_47 : i32
      %scan3A_49 = arith.constant 1 : i32
      %scan3A_50:3 = scf.for %scan3A_125 = %scan3A_46 to %scan3A_48 step %scan3A_49 iter_args(%scan3A_126 = %broadcast_in_dim3A_45, %scan3A_127 = %broadcast_in_dim3A_3, %scan3A_128 = %broadcast_in_dim3A_3) -> (vector<16xf32>, vector<16xi32>, vector<16xi32>)  : i32 {
        %mul3A_129 = arith.constant 10000 : i32
        %mul3A_130 = arith.muli %scan3A_125, %mul3A_129 : i32
        %add3A_131 = arith.addi %mul3A_31, %mul3A_130 : i32
        %multiple_of3A = tpu.assume_multiple %add3A_131, 8 : i32
        "tpu.region"() ({
          %run_scoped3A = tpu.sem_alloc : memref<!tpu.dma_semaphore, #tpu.memory_space<semaphore_mem>>
          %dma_start3A = tpu.memref_slice %arg7[%multiple_of3A] : memref<6400000xf32, #tpu.memory_space<hbm>> -> memref<10000xf32, #tpu.memory_space<hbm>>
          %dma_start3A_138 = tpu.memref_slice %arg7[%multiple_of3A] : memref<6400000xf32, #tpu.memory_space<hbm>> -> memref<10000xf32, #tpu.memory_space<hbm>>
          tpu.enqueue_dma source(%dma_start3A_138 : memref<10000xf32, #tpu.memory_space<hbm>>) target(%arg10 : memref<10000xf32, #tpu.memory_space<vmem>>) target_semaphore(%run_scoped3A : memref<!tpu.dma_semaphore, #tpu.memory_space<semaphore_mem>>)
          %dma_wait3A = tpu.memref_slice %arg7[%multiple_of3A] : memref<6400000xf32, #tpu.memory_space<hbm>> -> memref<10000xf32, #tpu.memory_space<hbm>>
          %dma_wait3A_139 = tpu.memref_slice %arg7[%multiple_of3A] : memref<6400000xf32, #tpu.memory_space<hbm>> -> memref<10000xf32, #tpu.memory_space<hbm>>
          tpu.wait_dma2 semaphore(%run_scoped3A : memref<!tpu.dma_semaphore, #tpu.memory_space<semaphore_mem>>) src(%dma_wait3A_139 : memref<10000xf32, #tpu.memory_space<hbm>>) dst(%arg10 : memref<10000xf32, #tpu.memory_space<vmem>>)
          tpu.yield
        }) : () -> ()
        "tpu.region"() ({
          %run_scoped3A = tpu.sem_alloc : memref<!tpu.dma_semaphore, #tpu.memory_space<semaphore_mem>>
          %dma_start3A = tpu.memref_slice %arg3[%multiple_of3A] : memref<6400000xf32, #tpu.memory_space<hbm>> -> memref<10000xf32, #tpu.memory_space<hbm>>
          %dma_start3A_138 = tpu.memref_slice %arg3[%multiple_of3A] : memref<6400000xf32, #tpu.memory_space<hbm>> -> memref<10000xf32, #tpu.memory_space<hbm>>
          tpu.enqueue_dma source(%dma_start3A_138 : memref<10000xf32, #tpu.memory_space<hbm>>) target(%arg12 : memref<10000xf32, #tpu.memory_space<vmem>>) target_semaphore(%run_scoped3A : memref<!tpu.dma_semaphore, #tpu.memory_space<semaphore_mem>>)
          %dma_wait3A = tpu.memref_slice %arg3[%multiple_of3A] : memref<6400000xf32, #tpu.memory_space<hbm>> -> memref<10000xf32, #tpu.memory_space<hbm>>
          %dma_wait3A_139 = tpu.memref_slice %arg3[%multiple_of3A] : memref<6400000xf32, #tpu.memory_space<hbm>> -> memref<10000xf32, #tpu.memory_space<hbm>>
          tpu.wait_dma2 semaphore(%run_scoped3A : memref<!tpu.dma_semaphore, #tpu.memory_space<semaphore_mem>>) src(%dma_wait3A_139 : memref<10000xf32, #tpu.memory_space<hbm>>) dst(%arg12 : memref<10000xf32, #tpu.memory_space<vmem>>)
          tpu.yield
        }) : () -> ()
        "tpu.region"() ({
          %run_scoped3A = tpu.sem_alloc : memref<!tpu.dma_semaphore, #tpu.memory_space<semaphore_mem>>
          %dma_start3A = tpu.memref_slice %arg8[%multiple_of3A] : memref<6400000xi32, #tpu.memory_space<hbm>> -> memref<10000xi32, #tpu.memory_space<hbm>>
          %dma_start3A_138 = tpu.memref_slice %arg8[%multiple_of3A] : memref<6400000xi32, #tpu.memory_space<hbm>> -> memref<10000xi32, #tpu.memory_space<hbm>>
          tpu.enqueue_dma source(%dma_start3A_138 : memref<10000xi32, #tpu.memory_space<hbm>>) target(%arg11 : memref<10000xi32, #tpu.memory_space<vmem>>) target_semaphore(%run_scoped3A : memref<!tpu.dma_semaphore, #tpu.memory_space<semaphore_mem>>)
          %dma_wait3A = tpu.memref_slice %arg8[%multiple_of3A] : memref<6400000xi32, #tpu.memory_space<hbm>> -> memref<10000xi32, #tpu.memory_space<hbm>>
          %dma_wait3A_139 = tpu.memref_slice %arg8[%multiple_of3A] : memref<6400000xi32, #tpu.memory_space<hbm>> -> memref<10000xi32, #tpu.memory_space<hbm>>
          tpu.wait_dma2 semaphore(%run_scoped3A : memref<!tpu.dma_semaphore, #tpu.memory_space<semaphore_mem>>) src(%dma_wait3A_139 : memref<10000xi32, #tpu.memory_space<hbm>>) dst(%arg11 : memref<10000xi32, #tpu.memory_space<vmem>>)
          tpu.yield
        }) : () -> ()
        %scan3A_132 = arith.constant 0 : i32
        %scan3A_133 = arith.constant 625 : i32
        %scan3A_134 = arith.addi %scan3A_132, %scan3A_133 : i32
        %scan3A_135 = arith.constant 1 : i32
        %scan3A_136:3 = scf.for %scan3A_138 = %scan3A_132 to %scan3A_134 step %scan3A_135 iter_args(%scan3A_139 = %scan3A_126, %scan3A_140 = %scan3A_127, %scan3A_141 = %scan3A_128) -> (vector<16xf32>, vector<16xi32>, vector<16xi32>)  : i32 {
          %mul3A_142 = arith.constant 16 : i32
          %mul3A_143 = arith.muli %scan3A_138, %mul3A_142 : i32
          %get3A = arith.index_cast %mul3A_143 : i32 to index
          %get3A_144 = tpu.vector_load %arg10[%get3A] {strides = array<i32>} : memref<10000xf32, #tpu.memory_space<vmem>>, vector<16xf32>,
          %mul3A_145 = arith.constant 16 : i32
          %mul3A_146 = arith.muli %scan3A_138, %mul3A_145 : i32
          %get3A_147 = arith.index_cast %mul3A_146 : i32 to index
          %get3A_148 = tpu.vector_load %arg12[%get3A_147] {strides = array<i32>} : memref<10000xf32, #tpu.memory_space<vmem>>, vector<16xf32>,
          %mul3A_149 = arith.constant 16 : i32
          %mul3A_150 = arith.muli %scan3A_138, %mul3A_149 : i32
          %get3A_151 = arith.index_cast %mul3A_150 : i32 to index
          %get3A_152 = tpu.vector_load %arg11[%get3A_151] {strides = array<i32>} : memref<10000xi32, #tpu.memory_space<vmem>>, vector<16xi32>,
          %mul3A_153 = arith.constant 10000 : i32
          %mul3A_154 = arith.muli %scan3A_125, %mul3A_153 : i32
          %mul3A_155 = arith.constant 16 : i32
          %mul3A_156 = arith.muli %scan3A_138, %mul3A_155 : i32
          %add3A_157 = arith.addi %mul3A_154, %mul3A_156 : i32
          %add3A_158 = vector.broadcast %add3A_157 : i32 to vector<16xi32>
          %add3A_159 = arith.addi %add3A_158, %iota3A : vector<16xi32>
          %le3A = vector.broadcast %scan3A_40#2 : i32 to vector<16xi32>
          %le3A_160 = arith.cmpi sle, %add3A_159, %le3A : vector<16xi32>
          %broadcast_in_dim3A_161 = vector.broadcast %mul3A_43 : f32 to vector<16xf32>
          %select_n3A_162 = arith.select %le3A_160, %get3A_144, %broadcast_in_dim3A_161 : vector<16xi1>, vector<16xf32>
          %mul3A_163 = arith.mulf %select_n3A_162, %get3A_148 : vector<16xf32>
          %gt3A = arith.cmpf ogt, %mul3A_163, %scan3A_139 : vector<16xf32>
          %select_n3A_164 = arith.select %gt3A, %mul3A_163, %scan3A_139 : vector<16xi1>, vector<16xf32>
          %select_n3A_165 = arith.select %gt3A, %add3A_159, %scan3A_140 : vector<16xi1>, vector<16xi32>
          %select_n3A_166 = arith.select %gt3A, %get3A_152, %scan3A_141 : vector<16xi1>, vector<16xi32>
          scf.yield %select_n3A_164, %select_n3A_165, %select_n3A_166 : vector<16xf32>, vector<16xi32>, vector<16xi32>
        }
        %scan3A_137 = arith.constant 625 : i32
        scf.yield %scan3A_136#0, %scan3A_136#1, %scan3A_136#2 : vector<16xf32>, vector<16xi32>, vector<16xi32>
      }
      %scan3A_51 = arith.constant 10 : i32
      %reduce_max3A = arith.constant true
      %reduce_max3A_52 = vector.broadcast %reduce_max3A : i1 to vector<16xi1>
      %reduce_max3A_53 = tpu.scan <max>, %scan3A_50#0 masked %reduce_max3A_52 : vector<16xf32>, vector<16xi1> -> vector<16xf32>
      %reduce_max3A_54 = vector.extract %reduce_max3A_53[15] : f32 from vector<16xf32>
      %eq3A_55 = vector.broadcast %reduce_max3A_54 : f32 to vector<16xf32>
      %eq3A_56 = arith.cmpf oeq, %scan3A_50#0, %eq3A_55 : vector<16xf32>
      %jit3A = arith.constant 1073741824 : i32
      %broadcast_in_dim3A_57 = vector.broadcast %jit3A : i32 to vector<16xi32>
      %select_n3A = arith.select %eq3A_56, %scan3A_50#1, %broadcast_in_dim3A_57 : vector<16xi1>, vector<16xi32>
      %reduce_min3A = arith.constant true
      %reduce_min3A_58 = vector.broadcast %reduce_min3A : i1 to vector<16xi1>
      %reduce_min3A_59 = arith.constant -2147483648 : i32
      %reduce_min3A_60 = vector.broadcast %reduce_min3A_59 : i32 to vector<16xi32>
      %reduce_min3A_61 = arith.xori %select_n3A, %reduce_min3A_60 : vector<16xi32>
      %reduce_min3A_62 = tpu.scan <min>, %reduce_min3A_61 masked %reduce_min3A_58 : vector<16xi32>, vector<16xi1> -> vector<16xi32>
      %reduce_min3A_63 = arith.xori %reduce_min3A_62, %reduce_min3A_60 : vector<16xi32>
      %reduce_min3A_64 = vector.extract %reduce_min3A_63[15] : i32 from vector<16xi32>
      %eq3A_65 = vector.broadcast %reduce_min3A_64 : i32 to vector<16xi32>
      %eq3A_66 = arith.cmpi eq, %scan3A_50#1, %eq3A_65 : vector<16xi32>
      %and3A = arith.andi %eq3A_56, %eq3A_66 : vector<16xi1>
      %jit3A_67 = arith.constant 1073741824 : i32
      %broadcast_in_dim3A_68 = vector.broadcast %jit3A_67 : i32 to vector<16xi32>
      %select_n3A_69 = arith.select %and3A, %scan3A_50#2, %broadcast_in_dim3A_68 : vector<16xi1>, vector<16xi32>
      %reduce_min3A_70 = arith.constant true
      %reduce_min3A_71 = vector.broadcast %reduce_min3A_70 : i1 to vector<16xi1>
      %reduce_min3A_72 = arith.constant -2147483648 : i32
      %reduce_min3A_73 = vector.broadcast %reduce_min3A_72 : i32 to vector<16xi32>
      %reduce_min3A_74 = arith.xori %select_n3A_69, %reduce_min3A_73 : vector<16xi32>
      %reduce_min3A_75 = tpu.scan <min>, %reduce_min3A_74 masked %reduce_min3A_71 : vector<16xi32>, vector<16xi1> -> vector<16xi32>
      %reduce_min3A_76 = arith.xori %reduce_min3A_75, %reduce_min3A_73 : vector<16xi32>
      %reduce_min3A_77 = vector.extract %reduce_min3A_76[15] : i32 from vector<16xi32>
      %jit3A_78 = arith.constant 10000 : i32
      %div3A = arith.divsi %reduce_min3A_77, %jit3A_78 : i32
      %sign3A = arith.constant 0 : i32
      %sign3A_79 = arith.cmpi sgt, %reduce_min3A_77, %sign3A : i32
      %sign3A_80 = arith.extui %sign3A_79 : i1 to i32
      %sign3A_81 = arith.constant 0 : i32
      %sign3A_82 = arith.cmpi slt, %reduce_min3A_77, %sign3A_81 : i32
      %sign3A_83 = arith.extui %sign3A_82 : i1 to i32
      %sign3A_84 = arith.subi %sign3A_80, %sign3A_83 : i32
      %sign3A_85 = arith.constant 0 : i32
      %sign3A_86 = arith.cmpi sgt, %jit3A_78, %sign3A_85 : i32
      %sign3A_87 = arith.extui %sign3A_86 : i1 to i32
      %sign3A_88 = arith.constant 0 : i32
      %sign3A_89 = arith.cmpi slt, %jit3A_78, %sign3A_88 : i32
      %sign3A_90 = arith.extui %sign3A_89 : i1 to i32
      %sign3A_91 = arith.subi %sign3A_87, %sign3A_90 : i32
      %ne3A = arith.cmpi ne, %sign3A_84, %sign3A_91 : i32
      %rem3A = arith.remsi %reduce_min3A_77, %jit3A_78 : i32
      %ne3A_92 = arith.constant 0 : i32
      %ne3A_93 = arith.cmpi ne, %rem3A, %ne3A_92 : i32
      %and3A_94 = arith.andi %ne3A, %ne3A_93 : i1
      %sub3A = arith.constant 1 : i32
      %sub3A_95 = arith.subi %div3A, %sub3A : i32
      %select_n3A_96 = arith.select %and3A_94, %sub3A_95, %div3A : i32
      %mul3A_97 = arith.constant 10000 : i32
      %mul3A_98 = arith.muli %select_n3A_96, %mul3A_97 : i32
      %sub3A_99 = arith.subi %reduce_min3A_77, %mul3A_98 : i32
      %broadcast_in_dim3A_100 = arith.constant 9.99999974E-6 : f32
      %broadcast_in_dim3A_101 = vector.broadcast %broadcast_in_dim3A_100 : f32 to vector<16xf32>
      %broadcast_in_dim3A_102 = arith.constant 1.000000e+05 : f32
      %broadcast_in_dim3A_103 = vector.broadcast %broadcast_in_dim3A_102 : f32 to vector<16xf32>
      %scan3A_104 = arith.constant 0 : i32
      %scan3A_105 = arith.constant 0 : i32
      %scan3A_106 = arith.constant 624 : i32
      %scan3A_107 = arith.addi %scan3A_105, %scan3A_106 : i32
      %scan3A_108 = arith.constant 4 : i32
      %scan3A_109 = scf.for %scan3A_125 = %scan3A_105 to %scan3A_107 step %scan3A_108 iter_args(%scan3A_126 = %scan3A_104) -> (i32)  : i32 {
        %mul3A_127 = arith.constant 16 : i32
        %mul3A_128 = arith.muli %scan3A_125, %mul3A_127 : i32
        %swap3A_129 = arith.index_cast %mul3A_128 : i32 to index
        %swap3A_130 = tpu.vector_load %arg10[%swap3A_129] {strides = array<i32>} : memref<10000xf32, #tpu.memory_space<vmem>>, vector<16xf32>,
        tpu.vector_store %arg10[%swap3A_129], %broadcast_in_dim3A_101 {strides = array<i32>} : memref<10000xf32, #tpu.memory_space<vmem>>, vector<16xf32>,
        %scan3A_131 = arith.constant 0 : i32
        %scan3A_132 = arith.constant 1 : i32
        %scan3A_133 = arith.addi %scan3A_125, %scan3A_132 : i32
        %mul3A_134 = arith.constant 16 : i32
        %mul3A_135 = arith.muli %scan3A_133, %mul3A_134 : i32
        %swap3A_136 = arith.index_cast %mul3A_135 : i32 to index
        %swap3A_137 = tpu.vector_load %arg10[%swap3A_136] {strides = array<i32>} : memref<10000xf32, #tpu.memory_space<vmem>>, vector<16xf32>,
        tpu.vector_store %arg10[%swap3A_136], %broadcast_in_dim3A_101 {strides = array<i32>} : memref<10000xf32, #tpu.memory_space<vmem>>, vector<16xf32>,
        %scan3A_138 = arith.constant 0 : i32
        %scan3A_139 = arith.constant 2 : i32
        %scan3A_140 = arith.addi %scan3A_125, %scan3A_139 : i32
        %mul3A_141 = arith.constant 16 : i32
        %mul3A_142 = arith.muli %scan3A_140, %mul3A_141 : i32
        %swap3A_143 = arith.index_cast %mul3A_142 : i32 to index
        %swap3A_144 = tpu.vector_load %arg10[%swap3A_143] {strides = array<i32>} : memref<10000xf32, #tpu.memory_space<vmem>>, vector<16xf32>,
        tpu.vector_store %arg10[%swap3A_143], %broadcast_in_dim3A_101 {strides = array<i32>} : memref<10000xf32, #tpu.memory_space<vmem>>, vector<16xf32>,
        %scan3A_145 = arith.constant 0 : i32
        %scan3A_146 = arith.constant 3 : i32
        %scan3A_147 = arith.addi %scan3A_125, %scan3A_146 : i32
        %mul3A_148 = arith.constant 16 : i32
        %mul3A_149 = arith.muli %scan3A_147, %mul3A_148 : i32
        %swap3A_150 = arith.index_cast %mul3A_149 : i32 to index
        %swap3A_151 = tpu.vector_load %arg10[%swap3A_150] {strides = array<i32>} : memref<10000xf32, #tpu.memory_space<vmem>>, vector<16xf32>,
        tpu.vector_store %arg10[%swap3A_150], %broadcast_in_dim3A_101 {strides = array<i32>} : memref<10000xf32, #tpu.memory_space<vmem>>, vector<16xf32>,
        %scan3A_152 = arith.constant 0 : i32
        scf.yield %scan3A_152 : i32
      }
      %scan3A_110 = arith.constant 624 : i32
      %scan3A_111 = arith.addi %scan3A_105, %scan3A_110 : i32
      %mul3A_112 = arith.constant 16 : i32
      %mul3A_113 = arith.muli %scan3A_111, %mul3A_112 : i32
      %swap3A = arith.index_cast %mul3A_113 : i32 to index
      %swap3A_114 = tpu.vector_load %arg10[%swap3A] {strides = array<i32>} : memref<10000xf32, #tpu.memory_space<vmem>>, vector<16xf32>,
      tpu.vector_store %arg10[%swap3A], %broadcast_in_dim3A_101 {strides = array<i32>} : memref<10000xf32, #tpu.memory_space<vmem>>, vector<16xf32>,
      %scan3A_115 = arith.constant 0 : i32
      %scan3A_116 = arith.constant 625 : i32
      %scan3A_117 = arith.constant 0 : i32
      %scan3A_118 = arith.constant 0 : i32
      %scan3A_119 = arith.constant 10 : i32
      %scan3A_120 = arith.addi %scan3A_118, %scan3A_119 : i32
      %scan3A_121 = arith.constant 1 : i32
      %scan3A_122 = scf.for %scan3A_125 = %scan3A_118 to %scan3A_120 step %scan3A_121 iter_args(%scan3A_126 = %scan3A_117) -> (i32)  : i32 {
        %mul3A_127 = arith.constant 10000 : i32
        %mul3A_128 = arith.muli %scan3A_125, %mul3A_127 : i32
        %add3A_129 = arith.addi %mul3A_31, %mul3A_128 : i32
        %multiple_of3A = tpu.assume_multiple %add3A_129, 8 : i32
        %eq3A_130 = arith.cmpi eq, %scan3A_125, %select_n3A_96 : i32
        %jit3A_131 = arith.constant 0 : i32
        %select_n3A_132 = arith.select %eq3A_130, %sub3A_99, %jit3A_131 : i32
        %broadcast_in_dim3A_133 = vector.broadcast %select_n3A_132 : i32 to vector<16xi32>
        %broadcast_in_dim3A_134 = vector.broadcast %eq3A_130 : i1 to vector<16xi1>
        %select_n3A_135 = arith.select %broadcast_in_dim3A_134, %broadcast_in_dim3A_103, %broadcast_in_dim3A_101 : vector<16xi1>, vector<16xf32>
        tpu.vector_store_idx %arg10[%broadcast_in_dim3A_133], %select_n3A_135 masked %eq3A_2 : memref<10000xf32, #tpu.memory_space<vmem>>[vector<16xi32>], vector<16xf32>, vector<16xi1>
        "tpu.region"() ({
          %run_scoped3A = tpu.sem_alloc : memref<!tpu.dma_semaphore, #tpu.memory_space<semaphore_mem>>
          %dma_start3A = tpu.memref_slice %arg4[%multiple_of3A] : memref<6400000xf32, #tpu.memory_space<hbm>> -> memref<10000xf32, #tpu.memory_space<hbm>>
          %dma_start3A_137 = tpu.memref_slice %arg4[%multiple_of3A] : memref<6400000xf32, #tpu.memory_space<hbm>> -> memref<10000xf32, #tpu.memory_space<hbm>>
          tpu.enqueue_dma source(%arg10 : memref<10000xf32, #tpu.memory_space<vmem>>) target(%dma_start3A_137 : memref<10000xf32, #tpu.memory_space<hbm>>) target_semaphore(%run_scoped3A : memref<!tpu.dma_semaphore, #tpu.memory_space<semaphore_mem>>)
          %dma_wait3A = tpu.memref_slice %arg4[%multiple_of3A] : memref<6400000xf32, #tpu.memory_space<hbm>> -> memref<10000xf32, #tpu.memory_space<hbm>>
          %dma_wait3A_138 = tpu.memref_slice %arg4[%multiple_of3A] : memref<6400000xf32, #tpu.memory_space<hbm>> -> memref<10000xf32, #tpu.memory_space<hbm>>
          tpu.wait_dma2 semaphore(%run_scoped3A : memref<!tpu.dma_semaphore, #tpu.memory_space<semaphore_mem>>) src(%arg10 : memref<10000xf32, #tpu.memory_space<vmem>>) dst(%dma_wait3A_138 : memref<10000xf32, #tpu.memory_space<hbm>>)
          tpu.yield
        }) : () -> ()
        tpu.vector_store_idx %arg10[%broadcast_in_dim3A_133], %broadcast_in_dim3A_101 masked %eq3A_2 : memref<10000xf32, #tpu.memory_space<vmem>>[vector<16xi32>], vector<16xf32>, vector<16xi1>
        %scan3A_136 = arith.constant 0 : i32
        scf.yield %scan3A_136 : i32
      }
      %scan3A_123 = arith.constant 10 : i32
      %scan3A_124 = arith.constant 0 : i32
      scf.yield %scan3A_124 : i32
    }
    %scan3A_24 = arith.constant 2 : i32
    return
  }
}

</mosaic_0001>

<sc_bundles>
// kernel: kernel.3.cloned.1.call-start
scs
__scs_entry_jumppad:
0x0: {  	(pc) =	sbr.rel $0x88, $3  }
0x1: {  	(tag) =	ssettag $0x0;
	lr =	simm.s32 $0x1  }
0x2: {  	[smem:$0x3F9F] =	sst lr;
	_ =	strace $0xD0000000  }
0x3: {  	_ = 	snop  }
0x4: {  	_ = 	snop  }
0x5: {  	_ = 	snop  }
0x6: {  	_ = 	snop  }
0x7: {  	_ = 	snop  }
__scs_overlays_trampoline_lowered:
0x8: {  	[smem:$0x3FAE] =	sst s0  }
0x9: {  	[smem:$0x3FAF] =	sst s1  }
0xa: {  	[smem:$0x3FB0] =	sst s2  }
0xb: {  	[smem:$0x3FB1] =	sst s3  }
0xc: {  	[smem:$0x3FB2] =	sst s4  }
0xd: {  	[smem:$0x3FB3] =	sst s5  }
0xe: {  	[smem:$0x3FB4] =	sst s6  }
0xf: {  	[smem:$0x3FB5] =	sst s7  }
0x10: {  	[smem:$0x3FB6] =	sst s8  }
0x11: {  	[smem:$0x3FB7] =	sst s9;
	s0 =	simm.s32 @!p0 $0x0  }
0x12: {  	s1 =	sld [smem:$0x3F9D];
	s0 =	simm.s32 @p0 $0x1  }
0x13: {  	[smem:$0x3FB8] =	sst s0;
	s0 =	simm.s32 @!p1 $0x0  }
0x14: {  	s2 =	sld [smem:$0x3F9C];
	s0 =	simm.s32 @p1 $0x1  }
0x15: {  	[smem:$0x3FB9] =	sst s0;
	s0 =	simm.s32 @!p2 $0x0  }
0x16: {  	s3 =	sld [smem:$0x3FDB];
	s0 =	simm.s32 @p2 $0x1  }
0x17: {  	s4 =	simm.s32 $0x1BF5;
	[smem:$0x3FBB] =	sst s0  }
0x18: {  	s0 =	sld [smem:$0x3F9E];
	_ =	swait.ge [sflag:s4], $0x0  }
0x19: {  	s7 =	sld [smem:$0x3F9F]  }
0x1a: {  	s8 =	sadd.s32 $0xFFFFE003, lr  }
0x1b: {  	s9 =	sadd.s32 $0xFFFFFEF7, lr;
	s5 =	simm.s32 $0xFFFFFFFF;
	p2 =	slt.u32 s8, $0xFFFFF086  }
0x1c: {  	p1 =	slt.u32 s9, $0xF7A;
	s5 =	simm.s32 @!p2 $0x0  }
0x1d: {  	s5 =	simm.s32 @p1 $0x1;
	p0 =	seq.s32 s7, s2  }
0x1e: {  	s7 =	smul.u32 @!p0 $0xF7A, s2;
	p2 =	seq.s32 @!p0 s5, $0x0  }
0x1f: {  	s9 =	smul.u32 $0xF7A, s1;
	s8 =	simm.s32 @!p0 $0x1BF5;
	p2 =	por !p2, p0  }
0x20: {  	[sflag:s8] =	ssyncset.s32 @!p0 $0xFFFFF086;
	s6 =	sadd.s32 @!p0 s3, s7;
	s7 =	simm.s32 @!p0 $0x108  }
0x21: {  	s3 =	sadd.s32 s3, s9;
	s6 =	sadd.s32 @!p0 $0x88, s6;
	s7 =	simm.s32 @p2 $0x1082  }
0x22: {  	[simem:s7], [sflag:s8] =	dma.local @!p0 [hbm:s6], $0xF7A  }
0x23: {  	s9 =	sor.u32 $0xD0000000, s2;
	s6 =	simm.s32 $0x108;
	_ =	swait.ge @!p0 [sflag:s8], $0x0  }
0x24: {  	s3 =	sadd.s32 $0x88, s3;
	s6 =	simm.s32 @!p1 $0x1082;
	[sflag:s4] =	ssyncset.s32 $0xFFFFF086  }
0x25: {  	[simem:s6], [sflag:s4] =	dma.local [hbm:s3], $0xF7A  }
0x26: {  	[smem:$0x3F9F] =	sst s1;
	(tag) =	ssettag s2;
	_ =	strace s9  }
0x27: {  	s1 =	sld [smem:$0x3FAF]  }
0x28: {  	s2 =	sld [smem:$0x3FB0]  }
0x29: {  	s4 =	sld [smem:$0x3FB2]  }
0x2a: {  	p0 =	seq.s32 s5, $0x0;
	s5 =	sld [smem:$0x3FB3]  }
0x2b: {  	s6 =	sld [smem:$0x3FB4]  }
0x2c: {  	s7 =	sld [smem:$0x3FB5]  }
0x2d: {  	s3 =	simm.s32 $0x108;
	s8 =	sld [smem:$0x3FB6]  }
0x2e: {  	s3 =	simm.s32 @!p0 $0x1082;
	s9 =	sld [smem:$0x3FB7]  }
0x2f: {  	lr =	sadd.s32 s0, s3;
	s0 =	sld [smem:$0x3FAE]  }
0x30: {  	s3 =	sld [smem:$0x3FB1]  }
0x31: {  	[smem:$0x3FBA] =	sst s10  }
0x32: {  	s10 =	sld [smem:$0x3FB8];
	_ =	sdelay $0x3  }
0x33: {  	p0 =	seq.s32 s10, $0x1;
	s10 =	sld [smem:$0x3FBA];
	_ =	sdelay $0x3  }
0x34: {  	[smem:$0x3FBA] =	sst s10  }
0x35: {  	s10 =	sld [smem:$0x3FB9];
	_ =	sdelay $0x3  }
0x36: {  	p1 =	seq.s32 s10, $0x1;
	s10 =	sld [smem:$0x3FBA];
	_ =	sdelay $0x3  }
0x37: {  	[smem:$0x3FBA] =	sst s10  }
0x38: {  	s10 =	sld [smem:$0x3FBB]  }
0x39: {  	_ = 	snop;
	(pc) =	sbr.ind lr, $3  }
0x3a: {  	_ = 	snop  }
0x3b: {  	_ = 	snop  }
0x3c: {  	p2 =	seq.s32 s10, $0x1;
	s10 =	sld [smem:$0x3FBA]  }
0x3d: {  	_ =	shalt  }
0x3e: {  	_ =	shalt  }
0x3f: {  	_ =	shalt  }
0x40: {  	_ =	shalt  }
0x41: {  	_ =	shalt  }
0x42: {  	_ =	shalt  }
0x43: {  	_ =	shalt  }
0x44: {  	_ =	shalt  }
0x45: {  	_ =	shalt  }
0x46: {  	_ =	shalt  }
0x47: {  	_ =	shalt  }
0x48: {  	_ =	shalt  }
0x49: {  	_ =	shalt  }
0x4a: {  	_ =	shalt  }
0x4b: {  	_ =	shalt  }
0x4c: {  	_ =	shalt  }
0x4d: {  	_ =	shalt  }
0x4e: {  	_ =	shalt  }
0x4f: {  	_ =	shalt  }
0x50: {  	_ =	shalt  }
0x51: {  	_ =	shalt  }
0x52: {  	_ =	shalt  }
0x53: {  	_ =	shalt  }
0x54: {  	_ =	shalt  }
0x55: {  	_ =	shalt  }
0x56: {  	_ =	shalt  }
0x57: {  	_ =	shalt  }
0x58: {  	_ =	shalt  }
0x59: {  	_ =	shalt  }
0x5a: {  	_ =	shalt  }
0x5b: {  	_ =	shalt  }
0x5c: {  	_ =	shalt  }
0x5d: {  	_ =	shalt  }
0x5e: {  	_ =	shalt  }
0x5f: {  	_ =	shalt  }
0x60: {  	_ =	shalt  }
0x61: {  	_ =	shalt  }
0x62: {  	_ =	shalt  }
0x63: {  	_ =	shalt  }
0x64: {  	_ =	shalt  }
0x65: {  	_ =	shalt  }
0x66: {  	_ =	shalt  }
0x67: {  	_ =	shalt  }
0x68: {  	_ =	shalt  }
0x69: {  	_ =	shalt  }
0x6a: {  	_ =	shalt  }
0x6b: {  	_ =	shalt  }
0x6c: {  	_ =	shalt  }
0x6d: {  	_ =	shalt  }
0x6e: {  	_ =	shalt  }
0x6f: {  	_ =	shalt  }
0x70: {  	_ =	shalt  }
0x71: {  	_ =	shalt  }
0x72: {  	_ =	shalt  }
0x73: {  	_ =	shalt  }
0x74: {  	_ =	shalt  }
0x75: {  	_ =	shalt  }
0x76: {  	_ =	shalt  }
0x77: {  	_ =	shalt  }
0x78: {  	_ =	shalt  }
0x79: {  	_ =	shalt  }
0x7a: {  	_ =	shalt  }
0x7b: {  	_ =	shalt  }
0x7c: {  	_ =	shalt  }
0x7d: {  	_ =	shalt  }
0x7e: {  	_ =	shalt  }
0x7f: {  	_ =	shalt  }
0x80: {  	_ =	shalt  }
0x81: {  	_ =	shalt  }
0x82: {  	_ =	shalt  }
0x83: {  	_ =	shalt  }
0x84: {  	_ =	shalt  }
0x85: {  	_ =	shalt  }
0x86: {  	_ =	shalt  }
0x87: {  	_ =	shalt  }
.Lfunc_end0:
.L_simem_size_0:
called_computation_lowered:
.L_overlay_start_0:
0x88: {  	s2 =	sld [smem:$0x3FD9]  }
0x89: {  	s3 =	sld [smem:$0x3FFE];
	_ =	sdelay $0x1  }
0x8a: {  	s1 =	srdreg.scid  }
0x8b: {  	s0 =	sand.u32 $0x1, s1  }
0x8c: {  	s17 =	sshll.u32 s0, $0xA;
	s2 =	sadd.s32 s3, s2  }
0x8d: {  	s2 =	sadd.s32 s2, s17  }
0x8e: {  	[smem:$0x3FC6] =	sst s2  }
0x8f: {  	_ = 	snop  }
0x90: {  	s2 =	sld [smem:$0x3FD0];
	(tm) =	ssettm $0x1  }
0x91: {  	s18 =	sld [smem:$0x3FFB];
	_ =	sdelay $0x3  }
0x92: {  	_ =	strace s18  }
0x93: {  	s3 =	sld [smem:$0x3FFC];
	_ =	sdelay $0x3  }
0x94: {  	_ =	strace s3  }
0x95: {  	s3 =	sld [smem:$0x3FFD];
	_ =	sdelay $0x3  }
0x96: {  	_ =	strace s3  }
0x97: {  	_ =	strace $0x8FFFFFFF  }
0x98: {  	s19 =	sld [smem:$0x3FDB];
	_ =	sdelay $0x1  }
0x99: {  	s4 =	simm.s32 $_scs_section_size  }
0x9a: {  	s5 =	simm.s32 $_size__tile_overlayer_lowered;
	s6 =	simm.s32 $_tile_overlayer_lowered  }
0x9b: {  	s22 =	simm.s32 $0x1BFF;
	s21 =	sshll.u32 s6, $0x1;
	s3 =	sadd.s32 s4, s19  }
0x9c: {  	s7 =	simm.s32 $0x0;
	s20 =	sshll.u32 s5, $0x1;
	s5 =	sadd.s32 s21, s3  }
0x9d: {  	[timem:s7], [sflag:s22] =	dma.local [hbm:s5], s20  }
0x9e: {  	_ =	swait.ge [sflag:s22], s20  }
0x9f: {  	s4 =	ssub.s32 $0x0, s20;
	[sflag:s22] =	ssyncset.done $0x0  }
0xa0: {  	[sflag:s22] =	ssyncadd.s32 s4;
	_ =	sdelay $0x1  }
0xa1: {  	s23 =	simm.s32 $0x1B8B  }
0xa2: {  	_ =	swait.ge [sflag:s23], $0x1  }
0xa3: {  	[sflag:s23] =	ssyncset.done $0x0  }
0xa4: {  	s25 =	simm.s32 $0x1B8E;
	s24 =	sld [smem:$0x3FFE];
	[sflag:s23] =	ssyncadd.s32 $0xFFFFFFFF  }
0xa5: {  	s26 =	simm.s32 $execute0_lowered;
	[smem:$0x3FD2] =	sst s25  }
0xa6: {  	s5 =	sshll.u32 s26, $0x1;
	_ =	strace $0x80000046;
	[dreg:$0x1] =	wrdreg $0xFFFFFFFF  }
0xa7: {  	s28 =	simm.s32 $_size_execute0_lowered;
	s3 =	sadd.s32 s3, s5;
	[dreg:$0x0] =	wrdreg $0x0  }
0xa8: {  	s5 =	sshll.u32 s28, $0x1;
	[dreg:$0x2] =	wrdreg s3  }
0xa9: {  	[dreg:$0x3] =	wrdreg s5  }
0xaa: {  	[dreg:$0x4] =	wrdreg $0xC0  }
0xab: {  	_ =	task [dreg:s7], $0x5FFFF  }
0xac: {  	[dreg:$0x1] =	wrdreg $0xFFFFFFFF  }
0xad: {  	[dreg:$0x0] =	wrdreg $0x60  }
0xae: {  	[dreg:$0x2] =	wrdreg s24  }
0xaf: {  	[dreg:$0x3] =	wrdreg s2  }
0xb0: {  	[dreg:$0x4] =	wrdreg $0x9  }
0xb1: {  	_ =	task.clear_ibuf [dreg:s7], $0x5FFFF;
	_ =	strace $0x90000046  }
0xb2: {  	s29 =	simm.s32 $0x9;
	_ =	strace $0x80000048  }
0xb3: {  	_ =	swait.ge [sflag:s29], $0x1  }
0xb4: {  	[sflag:s29] =	ssyncadd.s32 $0xFFFFFFFF  }
0xb5: {  	_ =	strace $0x90000048  }
0xb6: {  	_ =	sfence  }
0xb7: {  	s30 =	sld [smem:$0x0];
	_ =	sdelay $0x2  }
0xb8: {  	s31 =	sshll.u32 s1, $0xD;
	s1 =	sshrl.u32 s1, $0x2  }
0xb9: {  	s3 =	sand.u32 $0x4000, s31;
	s1 =	sadd.s32 s1, s30  }
0xba: {  	s0 =	sor.u32 s3, s0;
	s1 =	sshll.u32 s1, $0x11  }
0xbb: {  	s0 =	sor.u32 s1, s0  }
0xbc: {  	s0 =	sadd.s32 $0x8F2B, s0  }
0xbd: {  	[sflag:s0] =	ssyncadd.remote.s32 $0x1  }
0xbe: {  	_ =	sfence.sel $0xFFFF  }
0xbf: {  	[dreg:$0x0] =	wrdreg $0xFFFFFFFF;
	(pc) =	sbr.abs _section_cstart, $3  }
0xc0: {  	[dreg:$0x1] =	wrdreg $0xFFFFFFFF  }
0xc1: {  	_ =	task.clear_ibuf [dreg:s7], $0x2FFFF;
	_ =	strace $0x9FFFFFFF  }
0xc2: {  	(tm) =	ssettm $0x7FFFFFFF  }
0xc3: {  	_ =	shalt  }
tec
execute0_lowered:
.L_overlay_start_1:
0x0: {  	(tag) =	ssettag $0x1  }
0x1: {  	s0 =	rddreg [dreg:$0x0]  }
0x2: {  	s1 =	rddreg [dreg:$0x1]  }
0x3: {  	s2 =	simm.s32 $0x0;
	v0 =	vimm.s32 $0x65432100;
	s6 =	srdreg.scid;
	s9 =	stileid.u32  }
0x4: {  	v1 =	vimm.s32 $0xEDCBA987;
	v2 =	vimm.s32 $0xFFEDCBA9;
	s13 =	simm.s32 $0x1;
	s14 =	simm.s32 $0x1ED80;
	s15 =	simm.s32 $0x2710  }
0x5: {  	v3 =	vimm.s32 $0x87654321;
	s16 =	simm.s32 $0x1C580;
	s17 =	simm.s32 $0x17680;
	s18 =	simm.s32 $0x19E00  }
0x6: {  	s19 =	simm.s32 $0x12780;
	s20 =	simm.s32 $0x1ED00;
	s21 =	simm.s32 $0x14F00;
	v1 =	vunpack.c.l.s4.s8 v1;
	v2 =	vunpack.c.l.s4.s8 v2;
	v3 =	vunpack.c.l.s4.s8 v3  }
0x7: {  	v7 =	vimm.f32 $9.999999740e-06;
	[smem:$0x7FF] =	sst s2;
	s3 =	sadd.s32 $0x600, s0;
	s6 =	sand.u32 $0x1, s6;
	v0 =	vunpack.c.l.s4.s8 v0  }
0x8: {  	s4 =	sadd.s32 $0x3D1400, s0;
	s5 =	sadd.s32 $0xC3C00, s0;
	s10 =	ssub.s32 $0x2, s6;
	v1 =	vunpack.c.0.s8.s32 v1;
	v2 =	vunpack.c.0.s8.s32 v2;
	v3 =	vunpack.c.0.s8.s32 v3  }
0x9: {  	vm0 =	vcmask $0x3F3C;
	v8 =	vimm.f32 $1.000000000e+05;
	s7 =	sadd.s32 $0x187200, s0;
	s8 =	sadd.s32 $0x24A800, s0;
	s11 =	sshrl.u32 s10, $0x1;
	v4 =	vunpack.c.0.s8.s32 v0  }
0xa: {  	s12 =	sshll.u32 s9, $0x1;
	s9 =	sadd.s32 $0x30DE00, s0;
	v0 =	vlaneseq.u32;
	s31 =	ssub.s32 s10, s11;
	v5 =	vand.u32 $0xF, v1;
	v6 =	vcombine.low v3, v2  }
0xb: {  	_ =	strace $0x80000047;
	s10 =	sor.u32 s6, s12;
	s0 =	smax.u32 s31, $0x1;
	v1 =	vimm.s32 $0x0;
	v2 =	vor.u32 $0x800FFFF0, v0;
	v3 =	vcombine.low v4, v5  }
0xc: {  	s12 =	simm.s32 $0x10000;
	s6 =	simm.s32 $0x0;
	[dreg:$0x3] =	wrdreg s0;
	v5 =	vor.u32 $0x80000000, v0;
	v4 =	vand.u32 $0xF, v6;
	v6 =	vadd.s32 $0x1, v0  }
.LBB2_1:
0xd: {  	[dreg:$0x4] =	wrdreg s6;
	p1 =	por $0x1, $0x1;
	s0 =	simm.s32 $0x0  }
.LBB2_2:
0xe: {  	s6 =	simm.s32 $0x20  }
0xf: {  	[tilespmem:s6+$0xFFFFFFE0] =	vst v1  }
0x10: {  	[tilespmem:s6+$0x10] =	vst v1  }
0x11: {  	p0 =	por p1, p1;
	s11 =	simm.s32 $0x0;
	[tilespmem:s6+$0x0] =	vst v1  }
.LBB2_3:
0x12: {  	s11 =	sadd.s32 $0x4, s11  }
0x13: {  	[tilespmem:s6+$0xFFFFFFF0] =	vst v1;
	s6 =	sadd.s32 $0x40, s6;
	p1 =	slt.u32 s11, $0xFFC  }
.Ltmp0:
0x14: {  	[tilespmem:s6+$0xFFFFFFE0] =	vst v1;
	(pc) =	sbr.rel @p1 .LBB2_3-.Ltmp0, $3  }
0x15: {  	_ =	sdelay $0x1  }
0x16: {  	[tilespmem:s6+$0x10] =	vst v1  }
0x17: {  	[tilespmem:s6+$0x0] =	vst v1  }
0x18: {  	s0 =	sor.u32 s10, s0  }
0x19: {  	[tilespmem:s6+$0xFFFFFFF0] =	vst v1;
	s24 =	simm.s32 $0x0;
	s25 =	simm.s32 $0x0;
	s23 =	smul.u32 $0x186A0, s0  }
.LBB2_5:
0x1a: {  	s0 =	smul.u32 $0x2710, s25;
	_ =	sdelay $0x1  }
0x1b: {  	s0 =	sadd.s32 s23, s0  }
0x1c: {  	s0 =	sshrl.u32 s0, $0x3  }
0x1d: {  	s0 =	sadd.s32 s3, s0  }
0x1e: {  	[tilespmem:s12], [sflag:$0x1] =	stream.linear.gather [hbm4b:s0+s24], $0x2710, $0x38;
	[tilespmem:$0x1EE00] =	vst v63  }
0x1f: {  	_ =	swait.ge [sflag:s13], $0x2710  }
0x20: {  	[sflag:s13] =	ssyncset.done $0x0  }
0x21: {  	s31 =	simm.s32 $0x0;
	[sflag:s13] =	ssyncadd.s32 $0xFFFFD8F0  }
0x22: {  	v9 =	vld [tilespmem:s31+$0x10000];
	_ =	sdelay $0x4  }
0x23: {  	v9 =	vshll.u32 v9, $0x4  }
0x24: {  	v9 =	vand.u32 $0xFFFF0, v9  }
0x25: {  	v9 =	vxor.u32 v2, v9  }
0x26: {  	(xrf1) =	vsort.ascd.msk.u32 $0xffff, v9, v0;
	_ =	sdelay $0xd  }
0x27: {  	v9, _, _ =	vpop (xrf1)  }
0x28: {  	v9 =	vshrl.u32 v9, $0x4  }
0x29: {  	v10 =	vxor.u32 $0x8000000, v9  }
0x2a: {  	[tilespmem:$0x1ED80] =	vst v10  }
0x2b: {  	v11 =	vld.idx.msk [tilespmem:v3+s14+$0x0], $0xffff;
	_ =	sdelay $0x4  }
0x2c: {  	vm1 =	veq.s32 v10, v11  }
0x2d: {  	v11 =	vsel vm1, $0x80000000, v5  }
0x2e: {  	(xrf0) =	vmax.scan.msk.u32 $0xffff, v11;
	v11 =	vld.idx.msk [tilespmem:v4+s14+$0x0], $0xffff;
	_ =	sdelay $0x4  }
0x2f: {  	vm1 =	vne.s32 v10, v11  }
0x30: {  	v9 =	vand.u32 $0x7F, v9;
	v12 =	vand.u32 $0xFFFFF80, v10;
	vm1 =	vmor vm1, vm0  }
0x31: {  	v9 =	vor.u32 v9, v12  }
0x32: {  	v13, _, _ =	vpop (xrf0)  }
0x33: {  	v10 =	vxor.u32 $0x80000000, v13  }
0x34: {  	s26 =	simm.s32 $0x80;
	s0 =	simm.s32 $0x40;
	v10 =	vsub.s32 v6, v10  }
.LBB2_6:
0x35: {  	p1 =	sne.s32 s26, $0x9C00  }
0x36: {  	s6 =	sshra.s32 s0, $0x2;
	[tilespmem:v9+s2+$0x0] =	vst.idx.add.s32.msk vm1, v10;
	s0 =	smov.u32 s26;
	s26 =	sadd.s32 $0x40, s26  }
0x37: {  	v9 =	vld [tilespmem:s6+$0x10000];
	_ =	sdelay $0x4  }
0x38: {  	v9 =	vshll.u32 v9, $0x4  }
0x39: {  	v9 =	vand.u32 $0xFFFF0, v9  }
0x3a: {  	v9 =	vxor.u32 v2, v9  }
0x3b: {  	(xrf1) =	vsort.ascd.msk.u32 $0xffff, v9, v0;
	_ =	sdelay $0xd  }
0x3c: {  	v9, _, _ =	vpop (xrf1)  }
0x3d: {  	v9 =	vshrl.u32 v9, $0x4  }
0x3e: {  	v10 =	vxor.u32 $0x8000000, v9  }
0x3f: {  	[tilespmem:$0x1ED80] =	vst v10;
	v11 =	vand.u32 $0xFFFFF80, v10  }
0x40: {  	v12 =	vld.idx.msk [tilespmem:v3+s14+$0x0], $0xffff;
	_ =	sdelay $0x3  }
0x41: {  	v13 =	vld.idx.msk [tilespmem:v4+s14+$0x0], $0xffff;
	_ =	sdelay $0x1  }
0x42: {  	vm1 =	veq.s32 v10, v12  }
0x43: {  	v12 =	vsel vm1, $0x80000000, v5  }
0x44: {  	(xrf0) =	vmax.scan.msk.u32 $0xffff, v12;
	_ =	sdelay $0x1  }
0x45: {  	vm1 =	vne.s32 v10, v13  }
0x46: {  	v9 =	vand.u32 $0x7F, v9;
	vm1 =	vmor vm1, vm0  }
.Ltmp1:
0x47: {  	v9 =	vor.u32 v9, v11;
	(pc) =	sbr.rel @p1 .LBB2_6-.Ltmp1, $4  }
0x48: {  	_ = 	snop  }
0x49: {  	v10, _, _ =	vpop (xrf0)  }
0x4a: {  	v10 =	vxor.u32 $0x80000000, v10  }
0x4b: {  	v10 =	vsub.s32 v6, v10  }
0x4c: {  	_ =	sdelay $0x4  }
0x4d: {  	s0 =	sshra.s32 s0, $0x2;
	[tilespmem:v9+s2+$0x0] =	vst.idx.add.s32.msk vm1, v10  }
0x4e: {  	v9 =	vld [tilespmem:s0+$0x10000];
	_ =	sdelay $0x4  }
0x4f: {  	v9 =	vshll.u32 v9, $0x4  }
0x50: {  	v9 =	vand.u32 $0xFFFF0, v9  }
0x51: {  	v9 =	vxor.u32 v2, v9  }
0x52: {  	(xrf1) =	vsort.ascd.msk.u32 $0xffff, v9, v0;
	_ =	sdelay $0xd  }
0x53: {  	v9, _, _ =	vpop (xrf1)  }
0x54: {  	v9 =	vshrl.u32 v9, $0x4  }
0x55: {  	v10 =	vxor.u32 $0x8000000, v9  }
0x56: {  	[tilespmem:$0x1ED80] =	vst v10  }
0x57: {  	v11 =	vld.idx.msk [tilespmem:v3+s14+$0x0], $0xffff;
	_ =	sdelay $0x3  }
0x58: {  	v12 =	vld.idx.msk [tilespmem:v4+s14+$0x0], $0xffff  }
0x59: {  	vm1 =	veq.s32 v10, v11  }
0x5a: {  	v11 =	vsel vm1, $0x80000000, v5  }
0x5b: {  	(xrf0) =	vmax.scan.msk.u32 $0xffff, v11;
	_ =	sdelay $0x1  }
0x5c: {  	vm1 =	vne.s32 v10, v12  }
0x5d: {  	s25 =	sadd.s32 $0x1, s25;
	v9 =	vand.u32 $0x7F, v9;
	v10 =	vand.u32 $0xFFFFF80, v10;
	vm1 =	vmor vm1, vm0  }
0x5e: {  	p1 =	seq.s32 s25, $0xA;
	v9 =	vor.u32 v9, v10  }
.Ltmp2:
0x5f: {  	_ = 	snop;
	(pc) =	sbr.rel @!p1 .LBB2_5-.Ltmp2, $4  }
0x60: {  	v10, _, _ =	vpop (xrf0)  }
0x61: {  	v10 =	vxor.u32 $0x80000000, v10  }
0x62: {  	v10 =	vsub.s32 v6, v10  }
0x63: {  	[tilespmem:v9+s2+$0x0] =	vst.idx.add.s32.msk vm1, v10  }
0x64: {  	s0 =	simm.s32 $0x20  }
0x65: {  	v9 =	vld [tilespmem:s0+$0xFFFFFFE0];
	_ =	sdelay $0x3  }
0x66: {  	v10 =	vld [tilespmem:s0+$0xFFFFFFF0]  }
0x67: {  	(xrf0) =	vadd.scan.msk.s32 $0xffff, v9;
	_ =	sdelay $0x3  }
0x68: {  	(xrf0) =	vadd.scan.msk.s32 $0xffff, v10;
	_ =	sdelay $0x1  }
0x69: {  	v12, _, _ =	vpop (xrf0)  }
0x6a: {  	v13 =	vxor.u32 $0x80000000, v12  }
0x6b: {  	v11 =	vld [tilespmem:s0+$0x0];
	_ =	sdelay $0x1  }
0x6c: {  	(xrf0) =	vmax.scan.msk.u32 $0xffff, v13;
	v13, _, _ =	vpop (xrf0)  }
0x6d: {  	v14 =	vxor.u32 $0x80000000, v13  }
0x6e: {  	(xrf0) =	vmax.scan.msk.u32 $0xffff, v14  }
0x6f: {  	(xrf0) =	vadd.scan.msk.s32 $0xffff, v11;
	_ =	sdelay $0x3  }
0x70: {  	v15 =	vld [tilespmem:s0+$0x10];
	v14, _, _ =	vpop (xrf0)  }
0x71: {  	(v2sf) =	vpush v14, $0xF;
	v14, _, _ =	vpop (xrf0)  }
0x72: {  	(v2sf) =	vpush v14, $0xF;
	v14, _, _ =	vpop (xrf0)  }
0x73: {  	v16 =	vxor.u32 $0x80000000, v14  }
0x74: {  	(xrf0) =	vmax.scan.msk.u32 $0xffff, v16  }
0x75: {  	(xrf0) =	vadd.scan.msk.s32 $0xffff, v15;
	_ =	sdelay $0x2  }
0x76: {  	s6 =	simm.s32 $0x0  }
0x77: {  	v9 =	vsub.s32 s6, v9  }
0x78: {  	v9 =	vadd.s32 v12, v9;
	v12, _, _ =	vpop (xrf0)  }
0x79: {  	(v2sf) =	vpush v12, $0xF;
	v12, _, _ =	vpop (xrf0)  }
0x7a: {  	s24 =	simm.s32 $0x60;
	[tilespmem:s0+$0xFFFFFFE0] =	vst v9;
	v62 =	vxor.u32 $0x80000000, v12  }
0x7b: {  	v9 =	vld [tilespmem:s24+$0xFFFFFFE0];
	(xrf0) =	vmax.scan.msk.u32 $0xffff, v62;
	_ =	sdelay $0x1  }
0x7c: {  	v17 =	vld [tilespmem:s24+$0xFFFFFFF0];
	_ =	sdelay $0x1  }
0x7d: {  	s28 =	spop (v2sf)  }
0x7e: {  	s6 =	sadd.s32 $0x0, s28;
	(xrf0) =	vadd.scan.msk.s32 $0xffff, v9  }
0x7f: {  	v10 =	vsub.s32 v13, v10;
	s6 =	sadd.s32 $0x80000000, s6;
	s11 =	spop (v2sf);
	v13, _, _ =	vpop (xrf0)  }
0x80: {  	(xrf0) =	vadd.scan.msk.s32 $0xffff, v17;
	s11 =	sadd.s32 s11, s6;
	(v2sf) =	vpush v13, $0xF  }
0x81: {  	v11 =	vsub.s32 v14, v11;
	v10 =	vadd.s32 s6, v10;
	s29 =	sadd.s32 $0x80000000, s11  }
0x82: {  	[tilespmem:s0+$0xFFFFFFF0] =	vst v10;
	v10 =	vadd.s32 s29, v11  }
0x83: {  	[tilespmem:s0+$0x0] =	vst v10  }
0x84: {  	v11, _, _ =	vpop (xrf0);
	v14 =	vld [tilespmem:s24+$0x0]  }
0x85: {  	v10 =	vxor.u32 $0x80000000, v11  }
0x86: {  	v63, _, _ =	vpop (xrf0);
	(xrf0) =	vmax.scan.msk.u32 $0xffff, v10;
	s30 =	spop (v2sf)  }
0x87: {  	v10 =	vxor.u32 $0x80000000, v63;
	s6 =	sadd.s32 s30, s29  }
0x88: {  	(xrf0) =	vmax.scan.msk.u32 $0xffff, v10;
	v10 =	vsub.s32 v12, v15;
	s6 =	sadd.s32 $0x80000000, s6  }
0x89: {  	(xrf0) =	vadd.scan.msk.s32 $0xffff, v14;
	v10 =	vadd.s32 s6, v10;
	_ =	sdelay $0x2  }
0x8a: {  	[tilespmem:s0+$0x10] =	vst v10;
	v10, _, _ =	vpop (xrf0)  }
0x8b: {  	v13 =	vld [tilespmem:s24+$0x10];
	(v2sf) =	vpush v10, $0xF  }
0x8c: {  	v12, _, _ =	vpop (xrf0)  }
0x8d: {  	v15, _, _ =	vpop (xrf0);
	s31 =	spop (v2sf);
	(v2sf) =	vpush v12, $0xF  }
0x8e: {  	v18 =	vxor.u32 $0x80000000, v15  }
0x8f: {  	(xrf0) =	vmax.scan.msk.u32 $0xffff, v18  }
0x90: {  	s25 =	simm.s32 $0x60;
	s0 =	simm.s32 $0x4;
	v10 =	vsub.s32 v63, v17;
	v12 =	vsub.s32 v15, v14;
	s6 =	sadd.s32 s31, s6;
	(xrf0) =	vadd.scan.msk.s32 $0xffff, v13  }
.LBB2_9:
0x91: {  	s0 =	sadd.s32 $0x4, s0;
	s6 =	sadd.s32 $0x80000000, s6  }
0x92: {  	p1 =	slt.u32 s0, $0xFFC;
	v9 =	vsub.s32 s6, v9  }
0x93: {  	v9 =	vadd.s32 v11, v9  }
0x94: {  	[tilespmem:s24+$0xFFFFFFE0] =	vst v9  }
0x95: {  	s24 =	sadd.s32 $0x40, s24;
	v11, _, _ =	vpop (xrf0)  }
0x96: {  	v9 =	vld [tilespmem:s24+$0xFFFFFFE0];
	(v2sf) =	vpush v11, $0xF;
	v11, _, _ =	vpop (xrf0)  }
0x97: {  	v13 =	vsub.s32 v11, v13;
	v11 =	vxor.u32 $0x80000000, v11  }
0x98: {  	v14 =	vld [tilespmem:s24+$0xFFFFFFF0];
	(xrf0) =	vmax.scan.msk.u32 $0xffff, v11;
	_ =	sdelay $0x1  }
0x99: {  	s11 =	spop (v2sf)  }
0x9a: {  	(xrf0) =	vadd.scan.msk.s32 $0xffff, v9;
	s6 =	sadd.s32 s11, s6  }
0x9b: {  	s6 =	sadd.s32 $0x80000000, s6;
	s11 =	spop (v2sf)  }
0x9c: {  	(xrf0) =	vadd.scan.msk.s32 $0xffff, v14;
	v11 =	vadd.s32 s6, v10;
	s6 =	sadd.s32 s11, s6  }
0x9d: {  	[tilespmem:s25+$0xFFFFFFF0] =	vst v11;
	s6 =	sadd.s32 $0x80000000, s6;
	v10, _, _ =	vpop (xrf0)  }
0x9e: {  	v15 =	vadd.s32 s6, v12;
	(v2sf) =	vpush v10, $0xF  }
0x9f: {  	[tilespmem:s25+$0x0] =	vst v15  }
0xa0: {  	v12 =	vld [tilespmem:s24+$0x0];
	v11, _, _ =	vpop (xrf0)  }
0xa1: {  	v10 =	vxor.u32 $0x80000000, v11  }
0xa2: {  	(xrf0) =	vmax.scan.msk.u32 $0xffff, v10;
	v15, _, _ =	vpop (xrf0)  }
0xa3: {  	v10 =	vsub.s32 v15, v14;
	v14 =	vxor.u32 $0x80000000, v15  }
0xa4: {  	(xrf0) =	vmax.scan.msk.u32 $0xffff, v14;
	s11 =	spop (v2sf)  }
0xa5: {  	(xrf0) =	vadd.scan.msk.s32 $0xffff, v12;
	s6 =	sadd.s32 s11, s6  }
0xa6: {  	s6 =	sadd.s32 $0x80000000, s6  }
0xa7: {  	v13 =	vadd.s32 s6, v13  }
0xa8: {  	v14, _, _ =	vpop (xrf0);
	[tilespmem:s25+$0x10] =	vst v13;
	s25 =	smov.u32 s24  }
0xa9: {  	v13 =	vld [tilespmem:s24+$0x10];
	(v2sf) =	vpush v14, $0xF  }
.Ltmp3:
0xaa: {  	v14, _, _ =	vpop (xrf0);
	(pc) =	sbr.rel @p1 .LBB2_9-.Ltmp3, $4  }
0xab: {  	(v2sf) =	vpush v14, $0xF;
	v14, _, _ =	vpop (xrf0)  }
0xac: {  	v12 =	vsub.s32 v14, v12;
	v14 =	vxor.u32 $0x80000000, v14  }
0xad: {  	(xrf0) =	vmax.scan.msk.u32 $0xffff, v14;
	s11 =	spop (v2sf)  }
0xae: {  	(xrf0) =	vadd.scan.msk.s32 $0xffff, v13;
	s6 =	sadd.s32 s11, s6  }
0xaf: {  	_ =	sdelay $0x3  }
0xb0: {  	v14, _, _ =	vpop (xrf0)  }
0xb1: {  	v15, _, _ =	vpop (xrf0)  }
0xb2: {  	v16 =	vxor.u32 $0x80000000, v15  }
0xb3: {  	(xrf0) =	vmax.scan.msk.u32 $0xffff, v16;
	_ =	sdelay $0x2  }
0xb4: {  	(v2sf) =	vpush v14, $0xF;
	_ =	sdelay $0x2  }
0xb5: {  	v63, _, _ =	vpop (xrf0)  }
0xb6: {  	(v2sf) =	vpush v63, $0xF;
	_ =	sdelay $0x6  }
0xb7: {  	s6 =	sadd.s32 $0x80000000, s6;
	s0 =	spop (v2sf)  }
0xb8: {  	s0 =	sadd.s32 s0, s6  }
0xb9: {  	s0 =	sadd.s32 $0x80000000, s0;
	s11 =	spop (v2sf)  }
0xba: {  	v9 =	vsub.s32 s6, v9;
	s28 =	sadd.s32 s11, s0  }
0xbb: {  	v9 =	vadd.s32 v11, v9;
	s6 =	sadd.s32 $0x80000000, s28;
	s29 =	spop (v2sf)  }
0xbc: {  	[tilespmem:s24+$0xFFFFFFE0] =	vst v9;
	v9 =	vadd.s32 s0, v10;
	s30 =	sadd.s32 s29, s6  }
0xbd: {  	v10 =	vsub.s32 v15, v13;
	[tilespmem:s25+$0xFFFFFFF0] =	vst v9;
	v9 =	vadd.s32 s6, v12;
	s0 =	sadd.s32 $0x80000000, s30  }
0xbe: {  	[tilespmem:s25+$0x0] =	vst v9;
	v9 =	vadd.s32 s0, v10  }
0xbf: {  	s24 =	simm.s32 $0x0;
	[tilespmem:s25+$0x10] =	vst v9;
	v9 =	vor.u32 s23, v0;
	s25 =	simm.s32 $0x0;
	s31 =	spop (v2sf)  }
.LBB2_11:
0xc0: {  	s0 =	smul.u32 $0x2710, s25;
	_ =	sdelay $0x1  }
0xc1: {  	s6 =	sadd.s32 s23, s0  }
0xc2: {  	s6 =	sshrl.u32 s6, $0x3  }
0xc3: {  	s26 =	simm.s32 $0x10000;
	s6 =	sadd.s32 s3, s6  }
0xc4: {  	[tilespmem:s26], [sflag:$0x1] =	stream.linear.gather [hbm4b:s6+s24], $0x2710, $0x38;
	[tilespmem:$0x1EE00] =	vst v63  }
0xc5: {  	_ =	swait.ge [sflag:s13], $0x2710  }
0xc6: {  	[sflag:s13] =	ssyncset.done $0x0  }
0xc7: {  	[sflag:s13] =	ssyncadd.s32 $0xFFFFD8F0  }
0xc8: {  	v10 =	vld [tilespmem:s26+$0x0];
	_ =	sdelay $0x4  }
0xc9: {  	v10 =	vshll.u32 v10, $0x4  }
0xca: {  	v10 =	vand.u32 $0xFFFF0, v10  }
0xcb: {  	v10 =	vxor.u32 v2, v10  }
0xcc: {  	(xrf1) =	vsort.ascd.msk.u32 $0xffff, v10, v0;
	_ =	sdelay $0xd  }
0xcd: {  	v10, v11, _ =	vpop (xrf1)  }
0xce: {  	v10 =	vshrl.u32 v10, $0x4  }
0xcf: {  	v12 =	vxor.u32 $0x8000000, v10  }
0xd0: {  	[tilespmem:$0x1ED80] =	vst v12  }
0xd1: {  	v13 =	vld.idx.msk [tilespmem:v3+s14+$0x0], $0xffff;
	_ =	sdelay $0x3  }
0xd2: {  	v14 =	vld.idx.msk [tilespmem:v4+s14+$0x0], $0xffff  }
0xd3: {  	vm1 =	veq.s32 v12, v13  }
0xd4: {  	v13 =	vsel vm1, $0x80000000, v5  }
0xd5: {  	(xrf0) =	vmax.scan.msk.u32 $0xffff, v13;
	_ =	sdelay $0x1  }
0xd6: {  	v10 =	vand.u32 $0x7F, v10;
	v61 =	vand.u32 $0xFFFFF80, v12;
	vm1 =	vne.s32 v12, v14  }
0xd7: {  	v10 =	vor.u32 v10, v61;
	vm1 =	vmor vm1, vm0;
	_ =	sdelay $0x1  }
0xd8: {  	v11 =	vadd.s32 s24, v11  }
0xd9: {  	v62, _, _ =	vpop (xrf0)  }
0xda: {  	v12 =	vxor.u32 $0x80000000, v62  }
0xdb: {  	v13 =	vld.idx.msk [tilespmem:v10+s2+$0x0], $0xffff;
	v63 =	vsub.s32 v6, v12  }
0xdc: {  	[tilespmem:v10+s2+$0x0] =	vst.idx.add.s32.msk vm1, v63  }
0xdd: {  	v14 =	vld.idx.msk [tilespmem:v11+s12+$0x0], $0xffff;
	_ =	sdelay $0x3  }
0xde: {  	s28 =	simm.s32 $0x17680;
	v13 =	vadd.s32 v13, v9  }
0xdf: {  	s29 =	simm.s32 $0x1C580;
	v12 =	vsub.s32 v13, v12;
	v10 =	vmov s0;
	[tilespmem:s28+$0x0] =	vst v14  }
0xe0: {  	s31 =	simm.s32 $0x19E00;
	s30 =	simm.s32 $0x10;
	s0 =	simm.s32 $0x19E10;
	v11 =	vadd.s32 v10, v11;
	[tilespmem:s29+$0x0] =	vst v12  }
.LBB2_12:
0xe1: {  	[tilespmem:s31+$0x0] =	vst v11;
	s26 =	sadd.s32 $0x10, s26;
	s28 =	sadd.s32 $0x10, s28;
	s29 =	sadd.s32 $0x10, s29  }
0xe2: {  	p1 =	sne.s32 s30, $0x2700;
	s6 =	smov.u32 s30;
	s30 =	sadd.s32 $0x10, s30;
	v11 =	vld [tilespmem:s26+$0x0]  }
0xe3: {  	s31 =	smov.u32 s0;
	_ =	sdelay $0x3  }
0xe4: {  	v11 =	vshll.u32 v11, $0x4  }
0xe5: {  	v11 =	vand.u32 $0xFFFF0, v11  }
0xe6: {  	v11 =	vxor.u32 v2, v11  }
0xe7: {  	(xrf1) =	vsort.ascd.msk.u32 $0xffff, v11, v0;
	_ =	sdelay $0xd  }
0xe8: {  	v11, v12, _ =	vpop (xrf1)  }
0xe9: {  	v11 =	vshrl.u32 v11, $0x4  }
0xea: {  	v13 =	vxor.u32 $0x8000000, v11  }
0xeb: {  	[tilespmem:$0x1ED80] =	vst v13;
	v14 =	vand.u32 $0xFFFFF80, v13  }
0xec: {  	v15 =	vld.idx.msk [tilespmem:v3+s14+$0x0], $0xffff;
	_ =	sdelay $0x3  }
0xed: {  	v16 =	vld.idx.msk [tilespmem:v4+s14+$0x0], $0xffff;
	_ =	sdelay $0x1  }
0xee: {  	vm1 =	veq.s32 v13, v15  }
0xef: {  	v15 =	vsel vm1, $0x80000000, v5  }
0xf0: {  	(xrf0) =	vmax.scan.msk.u32 $0xffff, v15;
	_ =	sdelay $0x1  }
0xf1: {  	v11 =	vand.u32 $0x7F, v11;
	vm1 =	vne.s32 v13, v16  }
0xf2: {  	v11 =	vor.u32 v11, v14;
	vm1 =	vmor vm1, vm0;
	_ =	sdelay $0x1  }
0xf3: {  	v12 =	vadd.s32 s6, v12  }
0xf4: {  	v13, _, _ =	vpop (xrf0)  }
0xf5: {  	v13 =	vxor.u32 $0x80000000, v13  }
0xf6: {  	v14 =	vld.idx.msk [tilespmem:v11+s2+$0x0], $0xffff;
	v15 =	vsub.s32 v6, v13  }
0xf7: {  	[tilespmem:v11+s2+$0x0] =	vst.idx.add.s32.msk vm1, v15  }
0xf8: {  	v11 =	vld.idx.msk [tilespmem:v12+s12+$0x0], $0xffff;
	_ =	sdelay $0x2  }
.Ltmp4:
0xf9: {  	(pc) =	sbr.rel @p1 .LBB2_12-.Ltmp4, $4  }
0xfa: {  	_ = 	snop  }
0xfb: {  	v14 =	vadd.s32 v14, v9  }
0xfc: {  	[tilespmem:s28+$0x0] =	vst v11;
	v11 =	vsub.s32 v14, v13  }
0xfd: {  	s0 =	sadd.s32 $0x10, s0;
	[tilespmem:s29+$0x0] =	vst v11;
	v11 =	vadd.s32 v10, v12  }
0xfe: {  	[tilespmem:s31+$0x0] =	vst v11  }
0xff: {  	[hbm4b:s5+s15] =	stream.indirect.scatter [tilespmem:s17], [sflag:$0x1], $0x1, s16, s15, $0xb8;
	[tilespmem:$0x1EE00] =	vst v63  }
0x100: {  	s25 =	sadd.s32 $0x1, s25;
	_ =	swait.ge [sflag:s13], $0x2710  }
0x101: {  	p1 =	sne.s32 s25, $0xA;
	[sflag:s13] =	ssyncset.done $0x0  }
.Ltmp5:
0x102: {  	[sflag:s13] =	ssyncadd.s32 $0xFFFFD8F0;
	(pc) =	sbr.rel @p1 .LBB2_11-.Ltmp5, $4  }
0x103: {  	[hbm4b:s7+s15] =	stream.indirect.scatter [tilespmem:s18], [sflag:$0x1], $0x1, s16, s15, $0xb8;
	[tilespmem:$0x1EE00] =	vst v63  }
0x104: {  	_ =	swait.ge [sflag:s13], $0x2710  }
0x105: {  	[sflag:s13] =	ssyncset.done $0x0  }
0x106: {  	[sflag:s13] =	ssyncadd.s32 $0xFFFFD8F0  }
.Ltmp6:
0x107: {  	(pc) =	sbr.rel @p0 .LBB2_2-.Ltmp6, $2  }
0x108: {  	_ =	sdelay $0x2  }
0x109: {  	s0 =	simm.s32 $0x20;
	p1 =	por $0x0, $0x0  }
0x10a: {  	[bflag:$0x0] =	sbarrier.arrive $0xFFFF;
	s0 =	simm.s32 $0x0;
	p1 =	por $0x1, $0x1  }
.LBB2_16:
0x10b: {  	s6 =	simm.s32 $0x20  }
0x10c: {  	[tilespmem:s6+$0xFFFFFFE0] =	vst v1  }
0x10d: {  	[tilespmem:s6+$0x10] =	vst v1  }
0x10e: {  	p0 =	por p1, p1;
	s11 =	simm.s32 $0x0;
	[tilespmem:s6+$0x0] =	vst v1  }
.LBB2_17:
0x10f: {  	s11 =	sadd.s32 $0x4, s11  }
0x110: {  	[tilespmem:s6+$0xFFFFFFF0] =	vst v1;
	s6 =	sadd.s32 $0x40, s6;
	p1 =	slt.u32 s11, $0xFFC  }
.Ltmp7:
0x111: {  	[tilespmem:s6+$0xFFFFFFE0] =	vst v1;
	(pc) =	sbr.rel @p1 .LBB2_17-.Ltmp7, $3  }
0x112: {  	_ =	sdelay $0x1  }
0x113: {  	[tilespmem:s6+$0x10] =	vst v1  }
0x114: {  	[tilespmem:s6+$0x0] =	vst v1  }
0x115: {  	s0 =	sor.u32 s10, s0  }
0x116: {  	[tilespmem:s6+$0xFFFFFFF0] =	vst v1;
	s24 =	simm.s32 $0x0;
	s25 =	simm.s32 $0x0;
	s23 =	smul.u32 $0x186A0, s0  }
.LBB2_19:
0x117: {  	s0 =	smul.u32 $0x2710, s25;
	_ =	sdelay $0x1  }
0x118: {  	s0 =	sadd.s32 s23, s0  }
0x119: {  	s0 =	sshrl.u32 s0, $0x3  }
0x11a: {  	s0 =	sadd.s32 s5, s0  }
0x11b: {  	[tilespmem:s12], [sflag:$0x1] =	stream.linear.gather [hbm4b:s0+s24], $0x2710, $0x38;
	[tilespmem:$0x1EE00] =	vst v63  }
0x11c: {  	_ =	swait.ge [sflag:s13], $0x2710  }
0x11d: {  	[sflag:s13] =	ssyncset.done $0x0  }
0x11e: {  	s31 =	simm.s32 $0x0;
	[sflag:s13] =	ssyncadd.s32 $0xFFFFD8F0  }
0x11f: {  	v9 =	vld [tilespmem:s31+$0x10000];
	_ =	sdelay $0x4  }
0x120: {  	v9 =	vxor.u32 $0xFFFFFFFF, v9  }
0x121: {  	v9 =	vshrl.u32 v9, $0xC  }
0x122: {  	v9 =	vand.u32 $0xFFFF0, v9  }
0x123: {  	v9 =	vor.u32 v5, v9  }
0x124: {  	(xrf1) =	vsort.ascd.msk.u32 $0xffff, v9, v0;
	_ =	sdelay $0xd  }
0x125: {  	v9, _, _ =	vpop (xrf1)  }
0x126: {  	v9 =	vshrl.u32 v9, $0x4  }
0x127: {  	v10 =	vxor.u32 $0x8000000, v9  }
0x128: {  	[tilespmem:$0x1ED80] =	vst v10  }
0x129: {  	v11 =	vld.idx.msk [tilespmem:v3+s14+$0x0], $0xffff;
	_ =	sdelay $0x4  }
0x12a: {  	vm1 =	veq.s32 v10, v11  }
0x12b: {  	v11 =	vsel vm1, $0x80000000, v5  }
0x12c: {  	(xrf0) =	vmax.scan.msk.u32 $0xffff, v11;
	v11 =	vld.idx.msk [tilespmem:v4+s14+$0x0], $0xffff;
	_ =	sdelay $0x4  }
0x12d: {  	vm1 =	vne.s32 v10, v11  }
0x12e: {  	v9 =	vand.u32 $0x7F, v9;
	v12 =	vand.u32 $0xFFFFF80, v10;
	vm1 =	vmor vm1, vm0  }
0x12f: {  	v9 =	vor.u32 v9, v12  }
0x130: {  	v13, _, _ =	vpop (xrf0)  }
0x131: {  	v10 =	vxor.u32 $0x80000000, v13  }
0x132: {  	s26 =	simm.s32 $0x80;
	s0 =	simm.s32 $0x40;
	v10 =	vsub.s32 v6, v10  }
.LBB2_20:
0x133: {  	p1 =	sne.s32 s26, $0x9C00  }
0x134: {  	s6 =	sshra.s32 s0, $0x2;
	[tilespmem:v9+s2+$0x0] =	vst.idx.add.s32.msk vm1, v10;
	s0 =	smov.u32 s26;
	s26 =	sadd.s32 $0x40, s26  }
0x135: {  	v9 =	vld [tilespmem:s6+$0x10000];
	_ =	sdelay $0x4  }
0x136: {  	v9 =	vxor.u32 $0xFFFFFFFF, v9  }
0x137: {  	v9 =	vshrl.u32 v9, $0xC  }
0x138: {  	v9 =	vand.u32 $0xFFFF0, v9  }
0x139: {  	v9 =	vor.u32 v5, v9  }
0x13a: {  	(xrf1) =	vsort.ascd.msk.u32 $0xffff, v9, v0;
	_ =	sdelay $0xd  }
0x13b: {  	v9, _, _ =	vpop (xrf1)  }
0x13c: {  	v9 =	vshrl.u32 v9, $0x4  }
0x13d: {  	v10 =	vxor.u32 $0x8000000, v9  }
0x13e: {  	[tilespmem:$0x1ED80] =	vst v10;
	v11 =	vand.u32 $0xFFFFF80, v10  }
0x13f: {  	v12 =	vld.idx.msk [tilespmem:v3+s14+$0x0], $0xffff;
	_ =	sdelay $0x3  }
0x140: {  	v13 =	vld.idx.msk [tilespmem:v4+s14+$0x0], $0xffff;
	_ =	sdelay $0x1  }
0x141: {  	vm1 =	veq.s32 v10, v12  }
0x142: {  	v12 =	vsel vm1, $0x80000000, v5  }
0x143: {  	(xrf0) =	vmax.scan.msk.u32 $0xffff, v12;
	_ =	sdelay $0x1  }
0x144: {  	vm1 =	vne.s32 v10, v13  }
0x145: {  	v9 =	vand.u32 $0x7F, v9;
	vm1 =	vmor vm1, vm0  }
.Ltmp8:
0x146: {  	v9 =	vor.u32 v9, v11;
	(pc) =	sbr.rel @p1 .LBB2_20-.Ltmp8, $4  }
0x147: {  	_ = 	snop  }
0x148: {  	v10, _, _ =	vpop (xrf0)  }
0x149: {  	v10 =	vxor.u32 $0x80000000, v10  }
0x14a: {  	v10 =	vsub.s32 v6, v10  }
0x14b: {  	_ =	sdelay $0x4  }
0x14c: {  	s0 =	sshra.s32 s0, $0x2;
	[tilespmem:v9+s2+$0x0] =	vst.idx.add.s32.msk vm1, v10  }
0x14d: {  	v9 =	vld [tilespmem:s0+$0x10000];
	_ =	sdelay $0x4  }
0x14e: {  	v9 =	vxor.u32 $0xFFFFFFFF, v9  }
0x14f: {  	v9 =	vshrl.u32 v9, $0xC  }
0x150: {  	v9 =	vand.u32 $0xFFFF0, v9  }
0x151: {  	v9 =	vor.u32 v5, v9  }
0x152: {  	(xrf1) =	vsort.ascd.msk.u32 $0xffff, v9, v0;
	_ =	sdelay $0xd  }
0x153: {  	v9, _, _ =	vpop (xrf1)  }
0x154: {  	v9 =	vshrl.u32 v9, $0x4  }
0x155: {  	v10 =	vxor.u32 $0x8000000, v9  }
0x156: {  	[tilespmem:$0x1ED80] =	vst v10  }
0x157: {  	v11 =	vld.idx.msk [tilespmem:v3+s14+$0x0], $0xffff;
	_ =	sdelay $0x3  }
0x158: {  	v12 =	vld.idx.msk [tilespmem:v4+s14+$0x0], $0xffff  }
0x159: {  	vm1 =	veq.s32 v10, v11  }
0x15a: {  	v11 =	vsel vm1, $0x80000000, v5  }
0x15b: {  	(xrf0) =	vmax.scan.msk.u32 $0xffff, v11;
	_ =	sdelay $0x1  }
0x15c: {  	vm1 =	vne.s32 v10, v12  }
0x15d: {  	s25 =	sadd.s32 $0x1, s25;
	v9 =	vand.u32 $0x7F, v9;
	v10 =	vand.u32 $0xFFFFF80, v10;
	vm1 =	vmor vm1, vm0  }
0x15e: {  	p1 =	seq.s32 s25, $0xA;
	v9 =	vor.u32 v9, v10  }
.Ltmp9:
0x15f: {  	_ = 	snop;
	(pc) =	sbr.rel @!p1 .LBB2_19-.Ltmp9, $4  }
0x160: {  	v10, _, _ =	vpop (xrf0)  }
0x161: {  	v10 =	vxor.u32 $0x80000000, v10  }
0x162: {  	v10 =	vsub.s32 v6, v10  }
0x163: {  	[tilespmem:v9+s2+$0x0] =	vst.idx.add.s32.msk vm1, v10  }
0x164: {  	s0 =	simm.s32 $0x20  }
0x165: {  	v9 =	vld [tilespmem:s0+$0xFFFFFFE0];
	_ =	sdelay $0x3  }
0x166: {  	v10 =	vld [tilespmem:s0+$0xFFFFFFF0]  }
0x167: {  	(xrf0) =	vadd.scan.msk.s32 $0xffff, v9;
	_ =	sdelay $0x3  }
0x168: {  	(xrf0) =	vadd.scan.msk.s32 $0xffff, v10;
	_ =	sdelay $0x1  }
0x169: {  	v12, _, _ =	vpop (xrf0)  }
0x16a: {  	v13 =	vxor.u32 $0x80000000, v12  }
0x16b: {  	v11 =	vld [tilespmem:s0+$0x0];
	_ =	sdelay $0x1  }
0x16c: {  	(xrf0) =	vmax.scan.msk.u32 $0xffff, v13;
	v13, _, _ =	vpop (xrf0)  }
0x16d: {  	v14 =	vxor.u32 $0x80000000, v13  }
0x16e: {  	(xrf0) =	vmax.scan.msk.u32 $0xffff, v14  }
0x16f: {  	(xrf0) =	vadd.scan.msk.s32 $0xffff, v11;
	_ =	sdelay $0x3  }
0x170: {  	v15 =	vld [tilespmem:s0+$0x10];
	v14, _, _ =	vpop (xrf0)  }
0x171: {  	(v2sf) =	vpush v14, $0xF;
	v14, _, _ =	vpop (xrf0)  }
0x172: {  	(v2sf) =	vpush v14, $0xF;
	v14, _, _ =	vpop (xrf0)  }
0x173: {  	v16 =	vxor.u32 $0x80000000, v14  }
0x174: {  	(xrf0) =	vmax.scan.msk.u32 $0xffff, v16  }
0x175: {  	(xrf0) =	vadd.scan.msk.s32 $0xffff, v15;
	_ =	sdelay $0x2  }
0x176: {  	s6 =	simm.s32 $0x0  }
0x177: {  	v9 =	vsub.s32 s6, v9  }
0x178: {  	v9 =	vadd.s32 v12, v9;
	v12, _, _ =	vpop (xrf0)  }
0x179: {  	(v2sf) =	vpush v12, $0xF;
	v12, _, _ =	vpop (xrf0)  }
0x17a: {  	s24 =	simm.s32 $0x60;
	[tilespmem:s0+$0xFFFFFFE0] =	vst v9;
	v62 =	vxor.u32 $0x80000000, v12  }
0x17b: {  	v9 =	vld [tilespmem:s24+$0xFFFFFFE0];
	(xrf0) =	vmax.scan.msk.u32 $0xffff, v62;
	_ =	sdelay $0x1  }
0x17c: {  	v17 =	vld [tilespmem:s24+$0xFFFFFFF0];
	_ =	sdelay $0x1  }
0x17d: {  	s28 =	spop (v2sf)  }
0x17e: {  	s6 =	sadd.s32 $0x0, s28;
	(xrf0) =	vadd.scan.msk.s32 $0xffff, v9  }
0x17f: {  	v10 =	vsub.s32 v13, v10;
	s6 =	sadd.s32 $0x80000000, s6;
	s11 =	spop (v2sf);
	v13, _, _ =	vpop (xrf0)  }
0x180: {  	(xrf0) =	vadd.scan.msk.s32 $0xffff, v17;
	s11 =	sadd.s32 s11, s6;
	(v2sf) =	vpush v13, $0xF  }
0x181: {  	v11 =	vsub.s32 v14, v11;
	v10 =	vadd.s32 s6, v10;
	s29 =	sadd.s32 $0x80000000, s11  }
0x182: {  	[tilespmem:s0+$0xFFFFFFF0] =	vst v10;
	v10 =	vadd.s32 s29, v11  }
0x183: {  	[tilespmem:s0+$0x0] =	vst v10  }
0x184: {  	v11, _, _ =	vpop (xrf0);
	v14 =	vld [tilespmem:s24+$0x0]  }
0x185: {  	v10 =	vxor.u32 $0x80000000, v11  }
0x186: {  	v63, _, _ =	vpop (xrf0);
	(xrf0) =	vmax.scan.msk.u32 $0xffff, v10;
	s30 =	spop (v2sf)  }
0x187: {  	v10 =	vxor.u32 $0x80000000, v63;
	s6 =	sadd.s32 s30, s29  }
0x188: {  	(xrf0) =	vmax.scan.msk.u32 $0xffff, v10;
	v10 =	vsub.s32 v12, v15;
	s6 =	sadd.s32 $0x80000000, s6  }
0x189: {  	(xrf0) =	vadd.scan.msk.s32 $0xffff, v14;
	v10 =	vadd.s32 s6, v10;
	_ =	sdelay $0x2  }
0x18a: {  	[tilespmem:s0+$0x10] =	vst v10;
	v10, _, _ =	vpop (xrf0)  }
0x18b: {  	v13 =	vld [tilespmem:s24+$0x10];
	(v2sf) =	vpush v10, $0xF  }
0x18c: {  	v12, _, _ =	vpop (xrf0)  }
0x18d: {  	v15, _, _ =	vpop (xrf0);
	s31 =	spop (v2sf);
	(v2sf) =	vpush v12, $0xF  }
0x18e: {  	v18 =	vxor.u32 $0x80000000, v15  }
0x18f: {  	(xrf0) =	vmax.scan.msk.u32 $0xffff, v18  }
0x190: {  	s25 =	simm.s32 $0x60;
	s0 =	simm.s32 $0x4;
	v10 =	vsub.s32 v63, v17;
	v12 =	vsub.s32 v15, v14;
	s6 =	sadd.s32 s31, s6;
	(xrf0) =	vadd.scan.msk.s32 $0xffff, v13  }
.LBB2_23:
0x191: {  	s0 =	sadd.s32 $0x4, s0;
	s6 =	sadd.s32 $0x80000000, s6  }
0x192: {  	p1 =	slt.u32 s0, $0xFFC;
	v9 =	vsub.s32 s6, v9  }
0x193: {  	v9 =	vadd.s32 v11, v9  }
0x194: {  	[tilespmem:s24+$0xFFFFFFE0] =	vst v9  }
0x195: {  	s24 =	sadd.s32 $0x40, s24;
	v11, _, _ =	vpop (xrf0)  }
0x196: {  	v9 =	vld [tilespmem:s24+$0xFFFFFFE0];
	(v2sf) =	vpush v11, $0xF;
	v11, _, _ =	vpop (xrf0)  }
0x197: {  	v13 =	vsub.s32 v11, v13;
	v11 =	vxor.u32 $0x80000000, v11  }
0x198: {  	v14 =	vld [tilespmem:s24+$0xFFFFFFF0];
	(xrf0) =	vmax.scan.msk.u32 $0xffff, v11;
	_ =	sdelay $0x1  }
0x199: {  	s11 =	spop (v2sf)  }
0x19a: {  	(xrf0) =	vadd.scan.msk.s32 $0xffff, v9;
	s6 =	sadd.s32 s11, s6  }
0x19b: {  	s6 =	sadd.s32 $0x80000000, s6;
	s11 =	spop (v2sf)  }
0x19c: {  	(xrf0) =	vadd.scan.msk.s32 $0xffff, v14;
	v11 =	vadd.s32 s6, v10;
	s6 =	sadd.s32 s11, s6  }
0x19d: {  	[tilespmem:s25+$0xFFFFFFF0] =	vst v11;
	s6 =	sadd.s32 $0x80000000, s6;
	v10, _, _ =	vpop (xrf0)  }
0x19e: {  	v15 =	vadd.s32 s6, v12;
	(v2sf) =	vpush v10, $0xF  }
0x19f: {  	[tilespmem:s25+$0x0] =	vst v15  }
0x1a0: {  	v12 =	vld [tilespmem:s24+$0x0];
	v11, _, _ =	vpop (xrf0)  }
0x1a1: {  	v10 =	vxor.u32 $0x80000000, v11  }
0x1a2: {  	(xrf0) =	vmax.scan.msk.u32 $0xffff, v10;
	v15, _, _ =	vpop (xrf0)  }
0x1a3: {  	v10 =	vsub.s32 v15, v14;
	v14 =	vxor.u32 $0x80000000, v15  }
0x1a4: {  	(xrf0) =	vmax.scan.msk.u32 $0xffff, v14;
	s11 =	spop (v2sf)  }
0x1a5: {  	(xrf0) =	vadd.scan.msk.s32 $0xffff, v12;
	s6 =	sadd.s32 s11, s6  }
0x1a6: {  	s6 =	sadd.s32 $0x80000000, s6  }
0x1a7: {  	v13 =	vadd.s32 s6, v13  }
0x1a8: {  	v14, _, _ =	vpop (xrf0);
	[tilespmem:s25+$0x10] =	vst v13;
	s25 =	smov.u32 s24  }
0x1a9: {  	v13 =	vld [tilespmem:s24+$0x10];
	(v2sf) =	vpush v14, $0xF  }
.Ltmp10:
0x1aa: {  	v14, _, _ =	vpop (xrf0);
	(pc) =	sbr.rel @p1 .LBB2_23-.Ltmp10, $4  }
0x1ab: {  	(v2sf) =	vpush v14, $0xF;
	v14, _, _ =	vpop (xrf0)  }
0x1ac: {  	v12 =	vsub.s32 v14, v12;
	v14 =	vxor.u32 $0x80000000, v14  }
0x1ad: {  	(xrf0) =	vmax.scan.msk.u32 $0xffff, v14;
	s11 =	spop (v2sf)  }
0x1ae: {  	(xrf0) =	vadd.scan.msk.s32 $0xffff, v13;
	s6 =	sadd.s32 s11, s6  }
0x1af: {  	_ =	sdelay $0x3  }
0x1b0: {  	v14, _, _ =	vpop (xrf0)  }
0x1b1: {  	v15, _, _ =	vpop (xrf0)  }
0x1b2: {  	v16 =	vxor.u32 $0x80000000, v15  }
0x1b3: {  	(xrf0) =	vmax.scan.msk.u32 $0xffff, v16;
	_ =	sdelay $0x2  }
0x1b4: {  	(v2sf) =	vpush v14, $0xF;
	_ =	sdelay $0x2  }
0x1b5: {  	v63, _, _ =	vpop (xrf0)  }
0x1b6: {  	(v2sf) =	vpush v63, $0xF;
	_ =	sdelay $0x6  }
0x1b7: {  	s6 =	sadd.s32 $0x80000000, s6;
	s0 =	spop (v2sf)  }
0x1b8: {  	s0 =	sadd.s32 s0, s6  }
0x1b9: {  	s0 =	sadd.s32 $0x80000000, s0;
	s11 =	spop (v2sf)  }
0x1ba: {  	v9 =	vsub.s32 s6, v9;
	s28 =	sadd.s32 s11, s0  }
0x1bb: {  	v9 =	vadd.s32 v11, v9;
	s6 =	sadd.s32 $0x80000000, s28;
	s29 =	spop (v2sf)  }
0x1bc: {  	[tilespmem:s24+$0xFFFFFFE0] =	vst v9;
	v9 =	vadd.s32 s0, v10;
	s30 =	sadd.s32 s29, s6  }
0x1bd: {  	v10 =	vsub.s32 v15, v13;
	[tilespmem:s25+$0xFFFFFFF0] =	vst v9;
	v9 =	vadd.s32 s6, v12;
	s0 =	sadd.s32 $0x80000000, s30  }
0x1be: {  	[tilespmem:s25+$0x0] =	vst v9;
	v9 =	vadd.s32 s0, v10  }
0x1bf: {  	s24 =	simm.s32 $0x0;
	[tilespmem:s25+$0x10] =	vst v9;
	v9 =	vor.u32 s23, v0;
	s25 =	simm.s32 $0x0;
	s31 =	spop (v2sf)  }
.LBB2_25:
0x1c0: {  	s0 =	smul.u32 $0x2710, s25;
	_ =	sdelay $0x1  }
0x1c1: {  	s0 =	sadd.s32 s23, s0  }
0x1c2: {  	s0 =	sshrl.u32 s0, $0x3  }
0x1c3: {  	s26 =	simm.s32 $0x10000;
	s6 =	sadd.s32 s5, s0  }
0x1c4: {  	[tilespmem:s26], [sflag:$0x1] =	stream.linear.gather [hbm4b:s6+s24], $0x2710, $0x38;
	[tilespmem:$0x1EE00] =	vst v63  }
0x1c5: {  	_ =	swait.ge [sflag:s13], $0x2710  }
0x1c6: {  	[sflag:s13] =	ssyncset.done $0x0  }
0x1c7: {  	s0 =	sadd.s32 s7, s0;
	[sflag:s13] =	ssyncadd.s32 $0xFFFFD8F0  }
0x1c8: {  	[tilespmem:s19], [sflag:$0x1] =	stream.linear.gather [hbm4b:s0+s24], $0x2710, $0x38;
	[tilespmem:$0x1EE00] =	vst v63  }
0x1c9: {  	_ =	swait.ge [sflag:s13], $0x2710  }
0x1ca: {  	[sflag:s13] =	ssyncset.done $0x0  }
0x1cb: {  	[sflag:s13] =	ssyncadd.s32 $0xFFFFD8F0  }
0x1cc: {  	v10 =	vld [tilespmem:s26+$0x0];
	_ =	sdelay $0x4  }
0x1cd: {  	v10 =	vxor.u32 $0xFFFFFFFF, v10  }
0x1ce: {  	v10 =	vshrl.u32 v10, $0xC  }
0x1cf: {  	v10 =	vand.u32 $0xFFFF0, v10  }
0x1d0: {  	v10 =	vor.u32 v5, v10  }
0x1d1: {  	(xrf1) =	vsort.ascd.msk.u32 $0xffff, v10, v0;
	_ =	sdelay $0xd  }
0x1d2: {  	v10, v11, _ =	vpop (xrf1)  }
0x1d3: {  	v10 =	vshrl.u32 v10, $0x4  }
0x1d4: {  	v12 =	vxor.u32 $0x8000000, v10  }
0x1d5: {  	[tilespmem:$0x1ED80] =	vst v12  }
0x1d6: {  	v13 =	vld.idx.msk [tilespmem:v3+s14+$0x0], $0xffff;
	_ =	sdelay $0x3  }
0x1d7: {  	v14 =	vld.idx.msk [tilespmem:v4+s14+$0x0], $0xffff  }
0x1d8: {  	vm1 =	veq.s32 v12, v13  }
0x1d9: {  	v13 =	vsel vm1, $0x80000000, v5  }
0x1da: {  	(xrf0) =	vmax.scan.msk.u32 $0xffff, v13;
	_ =	sdelay $0x1  }
0x1db: {  	v10 =	vand.u32 $0x7F, v10;
	v61 =	vand.u32 $0xFFFFF80, v12;
	vm1 =	vne.s32 v12, v14  }
0x1dc: {  	v10 =	vor.u32 v10, v61;
	vm1 =	vmor vm1, vm0;
	_ =	sdelay $0x1  }
0x1dd: {  	v11 =	vadd.s32 s24, v11  }
0x1de: {  	v62, _, _ =	vpop (xrf0)  }
0x1df: {  	v12 =	vxor.u32 $0x80000000, v62  }
0x1e0: {  	v13 =	vld.idx.msk [tilespmem:v10+s2+$0x0], $0xffff;
	v63 =	vsub.s32 v6, v12  }
0x1e1: {  	[tilespmem:v10+s2+$0x0] =	vst.idx.add.s32.msk vm1, v63  }
0x1e2: {  	v10 =	vld.idx.msk [tilespmem:v11+s12+$0x0], $0xffff;
	_ =	sdelay $0x3  }
0x1e3: {  	s28 =	simm.s32 $0x17680;
	v13 =	vadd.s32 v13, v9  }
0x1e4: {  	s29 =	simm.s32 $0x1C580;
	[tilespmem:s28+$0x0] =	vst v10;
	v10 =	vsub.s32 v13, v12  }
0x1e5: {  	[tilespmem:s29+$0x0] =	vst v10  }
0x1e6: {  	v10 =	vld.idx.msk [tilespmem:v11+s19+$0x0], $0xffff;
	_ =	sdelay $0x3  }
0x1e7: {  	s30 =	simm.s32 $0x10;
	s31 =	simm.s32 $0x19E10;
	s0 =	simm.s32 $0x19E00  }
.LBB2_26:
0x1e8: {  	[tilespmem:s0+$0x0] =	vst v10;
	s26 =	sadd.s32 $0x10, s26;
	s28 =	sadd.s32 $0x10, s28;
	s29 =	sadd.s32 $0x10, s29  }
0x1e9: {  	p1 =	sne.s32 s30, $0x2700;
	s6 =	smov.u32 s30;
	s30 =	sadd.s32 $0x10, s30;
	v10 =	vld [tilespmem:s26+$0x0]  }
0x1ea: {  	s0 =	smov.u32 s31;
	_ =	sdelay $0x3  }
0x1eb: {  	v10 =	vxor.u32 $0xFFFFFFFF, v10  }
0x1ec: {  	v10 =	vshrl.u32 v10, $0xC  }
0x1ed: {  	v10 =	vand.u32 $0xFFFF0, v10  }
0x1ee: {  	v10 =	vor.u32 v5, v10  }
0x1ef: {  	(xrf1) =	vsort.ascd.msk.u32 $0xffff, v10, v0;
	_ =	sdelay $0xd  }
0x1f0: {  	v10, v11, _ =	vpop (xrf1)  }
0x1f1: {  	v10 =	vshrl.u32 v10, $0x4  }
0x1f2: {  	v12 =	vxor.u32 $0x8000000, v10  }
0x1f3: {  	[tilespmem:$0x1ED80] =	vst v12;
	v13 =	vand.u32 $0xFFFFF80, v12  }
0x1f4: {  	v14 =	vld.idx.msk [tilespmem:v3+s14+$0x0], $0xffff;
	_ =	sdelay $0x3  }
0x1f5: {  	v15 =	vld.idx.msk [tilespmem:v4+s14+$0x0], $0xffff;
	_ =	sdelay $0x1  }
0x1f6: {  	vm1 =	veq.s32 v12, v14  }
0x1f7: {  	v14 =	vsel vm1, $0x80000000, v5  }
0x1f8: {  	(xrf0) =	vmax.scan.msk.u32 $0xffff, v14;
	_ =	sdelay $0x1  }
0x1f9: {  	v10 =	vand.u32 $0x7F, v10;
	vm1 =	vne.s32 v12, v15  }
0x1fa: {  	v10 =	vor.u32 v10, v13;
	vm1 =	vmor vm1, vm0;
	_ =	sdelay $0x1  }
0x1fb: {  	v11 =	vadd.s32 s6, v11  }
0x1fc: {  	v12, _, _ =	vpop (xrf0)  }
0x1fd: {  	v12 =	vxor.u32 $0x80000000, v12  }
0x1fe: {  	v13 =	vld.idx.msk [tilespmem:v10+s2+$0x0], $0xffff;
	v14 =	vsub.s32 v6, v12  }
0x1ff: {  	[tilespmem:v10+s2+$0x0] =	vst.idx.add.s32.msk vm1, v14  }
0x200: {  	v10 =	vld.idx.msk [tilespmem:v11+s12+$0x0], $0xffff;
	_ =	sdelay $0x4  }
0x201: {  	v13 =	vadd.s32 v13, v9  }
0x202: {  	[tilespmem:s28+$0x0] =	vst v10;
	v10 =	vsub.s32 v13, v12  }
0x203: {  	[tilespmem:s29+$0x0] =	vst v10  }
0x204: {  	v10 =	vld.idx.msk [tilespmem:v11+s19+$0x0], $0xffff  }
.Ltmp11:
0x205: {  	(pc) =	sbr.rel @p1 .LBB2_26-.Ltmp11, $2  }
0x206: {  	_ =	sdelay $0x2  }
0x207: {  	s31 =	sadd.s32 $0x10, s31  }
0x208: {  	[tilespmem:s0+$0x0] =	vst v10  }
0x209: {  	[hbm4b:s8+s15] =	stream.indirect.scatter [tilespmem:s17], [sflag:$0x1], $0x1, s16, s15, $0xb8;
	[tilespmem:$0x1EE00] =	vst v63  }
0x20a: {  	s25 =	sadd.s32 $0x1, s25;
	_ =	swait.ge [sflag:s13], $0x2710  }
0x20b: {  	p1 =	sne.s32 s25, $0xA;
	[sflag:s13] =	ssyncset.done $0x0  }
.Ltmp12:
0x20c: {  	[sflag:s13] =	ssyncadd.s32 $0xFFFFD8F0;
	(pc) =	sbr.rel @p1 .LBB2_25-.Ltmp12, $4  }
0x20d: {  	[hbm4b:s9+s15] =	stream.indirect.scatter [tilespmem:s18], [sflag:$0x1], $0x1, s16, s15, $0xb8;
	[tilespmem:$0x1EE00] =	vst v63  }
0x20e: {  	_ =	swait.ge [sflag:s13], $0x2710  }
0x20f: {  	[sflag:s13] =	ssyncset.done $0x0  }
0x210: {  	[sflag:s13] =	ssyncadd.s32 $0xFFFFD8F0  }
.Ltmp13:
0x211: {  	(pc) =	sbr.rel @p0 .LBB2_16-.Ltmp13, $2  }
0x212: {  	_ =	sdelay $0x2  }
0x213: {  	s0 =	simm.s32 $0x20;
	p1 =	por $0x0, $0x0  }
0x214: {  	[bflag:$0x0] =	sbarrier.arrive $0xFFFF;
	s23 =	simm.s32 $0x0;
	p1 =	por $0x1, $0x1  }
.LBB2_30:
0x215: {  	s0 =	sor.u32 s10, s23;
	s6 =	simm.f32 $0.0e+00;
	s25 =	simm.s32 $0x1869F  }
0x216: {  	s26 =	simm.f32 $1.000000000e+00;
	p0 =	por p1, p1;
	s28 =	simm.s32 $0x0  }
0x217: {  	s29 =	simm.s32 $0x0;
	s24 =	smul.u32 $0x186A0, s0;
	s0 =	simm.s32 $0x0  }
.LBB2_31:
0x218: {  	s11 =	smul.u32 $0x2710, s29;
	_ =	sdelay $0x1  }
0x219: {  	s11 =	sadd.s32 s24, s11  }
0x21a: {  	s11 =	sshrl.u32 s11, $0x3  }
0x21b: {  	s30 =	simm.s32 $0x0;
	s11 =	sadd.s32 s8, s11  }
0x21c: {  	[tilespmem:s12], [sflag:$0x1] =	stream.linear.gather [hbm4b:s11+s30], $0x2710, $0x38;
	[tilespmem:$0x1EE00] =	vst v63  }
0x21d: {  	_ =	swait.ge [sflag:s13], $0x2710  }
0x21e: {  	[sflag:s13] =	ssyncset.done $0x0  }
0x21f: {  	s22 =	simm.s32 $0x0;
	[sflag:s13] =	ssyncadd.s32 $0xFFFFD8F0  }
0x220: {  	v9 =	vld [tilespmem:s22+$0x10000];
	_ =	sdelay $0x4  }
0x221: {  	(xrf2) =	vadd.scan.msk.f32 $0xffff, v9;
	_ =	sdelay $0x9  }
0x222: {  	v9, _, _ =	vpop (xrf2)  }
0x223: {  	v9 =	vadd.f32 s6, v9;
	_ =	sdelay $0x1  }
0x224: {  	vm1 =	vge.f32 v9, $8.999999760e-01  }
0x225: {  	v10 =	vsel vm1, $0x1, v1;
	v11 =	vmctz.xlane vm1  }
0x226: {  	(xrf0) =	vmax.scan.msk.f32 $0xffff, v9;
	v10 =	vor.u32 $0x80000000, v10  }
0x227: {  	v11 =	vxor.u32 $0x80000000, v11;
	(xrf0) =	vmax.scan.msk.u32 $0xffff, v10  }
0x228: {  	(xrf0) =	vmax.scan.msk.u32 $0xffff, v11;
	_ =	sdelay $0x3  }
0x229: {  	s11 =	simm.s32 $0x10;
	[tilespmem:$0x1ED00] =	vst v9;
	v10, _, _ =	vpop (xrf0)  }
0x22a: {  	(v2sf) =	vpush v10, $0xF;
	v10 =	vld [tilespmem:s11+$0x10000];
	v9, _, _ =	vpop (xrf0)  }
0x22b: {  	(v2sf) =	vpush v9, $0xF;
	v9, _, _ =	vpop (xrf0)  }
0x22c: {  	(v2sf) =	vpush v9, $0xF;
	_ =	sdelay $0x2  }
0x22d: {  	(xrf2) =	vadd.scan.msk.f32 $0xffff, v10;
	_ =	sdelay $0x9  }
0x22e: {  	s22 =	spop (v2sf);
	v9, _, _ =	vpop (xrf2)  }
0x22f: {  	v9 =	vadd.f32 s22, v9;
	s11 =	spop (v2sf)  }
0x230: {  	s22 =	spop (v2sf)  }
0x231: {  	vm1 =	vge.f32 v9, $8.999999760e-01;
	s6 =	sxor.u32 $0x80000000, s22  }
0x232: {  	v10 =	vsel vm1, $0x1, v1;
	v11 =	vmctz.xlane vm1;
	p1 =	slt.s32 s6, $0xF  }
0x233: {  	(xrf0) =	vmax.scan.msk.f32 $0xffff, v9;
	v10 =	vor.u32 $0x80000000, v10;
	s6 =	simm.s32 @!p1 $0xF  }
0x234: {  	v11 =	vxor.u32 $0x80000000, v11;
	(xrf0) =	vmax.scan.msk.u32 $0xffff, v10;
	v12 =	vmov s6  }
0x235: {  	(xrf0) =	vmax.scan.msk.u32 $0xffff, v11;
	_ =	sdelay $0x3  }
0x236: {  	s30 =	simm.s32 $0x20;
	v10, _, _ =	vpop (xrf0);
	v11 =	vld.idx.msk [tilespmem:v12+s20+$0x0], $0xffff;
	[tilespmem:$0x1ED00] =	vst v9  }
0x237: {  	(v2sf) =	vpush v10, $0xF;
	v9, _, _ =	vpop (xrf0);
	v10 =	vld [tilespmem:s30+$0x10000]  }
0x238: {  	(v2sf) =	vpush v9, $0xF;
	v9, _, _ =	vpop (xrf0)  }
0x239: {  	(v2sf) =	vpush v9, $0xF;
	_ =	sdelay $0x1  }
0x23a: {  	(xrf0) =	vmax.scan.msk.f32 $0xffff, v11  }
0x23b: {  	(xrf2) =	vadd.scan.msk.f32 $0xffff, v10;
	_ =	sdelay $0x4  }
0x23c: {  	v9, _, _ =	vpop (xrf0)  }
0x23d: {  	(v2sf) =	vpush v9, $0xF;
	_ =	sdelay $0x3  }
0x23e: {  	s30 =	spop (v2sf);
	v9, _, _ =	vpop (xrf2)  }
0x23f: {  	s31 =	spop (v2sf);
	v9 =	vadd.f32 s30, v9  }
0x240: {  	s30 =	spop (v2sf)  }
0x241: {  	s22 =	sxor.u32 $0x80000000, s30;
	(xrf0) =	vmax.scan.msk.f32 $0xffff, v9  }
0x242: {  	p4 =	seq.s32 s0, $0x0;
	p3 =	slt.s32 s22, $0xF;
	vm1 =	vge.f32 v9, $8.999999760e-01  }
0x243: {  	p2 =	seq.s32 s11, $0x80000001;
	s11 =	sxor.u32 $0x80000000, s11;
	s22 =	simm.s32 @!p3 $0xF;
	v11 =	vsel vm1, $0x1, v1  }
0x244: {  	s0 =	sor.u32 s0, s11;
	p1 =	por !p4, !p2;
	v63 =	vmctz.xlane vm1;
	v10 =	vmov s22;
	v11 =	vor.u32 $0x80000000, v11  }
0x245: {  	p5 =	seq.s32 s0, $0x0;
	p1 =	por !p1, !p1;
	s6 =	sadd.s32 s28, s6  }
0x246: {  	s25 =	smov.u32 @p1 s6;
	p1 =	por p1, p1;
	p6 =	seq.s32 s31, $0x80000001;
	v12 =	vxor.u32 $0x80000000, v63;
	(xrf0) =	vmax.scan.msk.u32 $0xffff, v11  }
0x247: {  	s11 =	sxor.u32 $0x80000000, s31;
	s31 =	sadd.s32 $0x10, s28;
	p2 =	por !p5, !p6;
	v11, _, _ =	vpop (xrf0);
	(xrf0) =	vmax.scan.msk.u32 $0xffff, v12  }
0x248: {  	s30 =	sor.u32 s0, s11;
	p3 =	por !p2, !p2;
	s6 =	sadd.s32 s31, s22  }
0x249: {  	s0 =	simm.s32 $0xC0;
	s25 =	smov.u32 @p3 s6;
	(v2sf) =	vpush v11, $0xF;
	v10 =	vld.idx.msk [tilespmem:v10+s20+$0x0], $0xffff;
	s11 =	spop (v2sf)  }
.LBB2_32:
0x24a: {  	p2 =	sne.s32 s0, $0x9C00;
	s26 =	smov.u32 @p1 s11  }
0x24b: {  	s6 =	smov.u32 s0;
	s0 =	sadd.s32 $0x40, s0;
	p1 =	por p3, p3  }
0x24c: {  	s6 =	sshra.s32 s6, $0x2;
	[tilespmem:$0x1ED00] =	vst v9;
	v9, _, _ =	vpop (xrf0)  }
0x24d: {  	v11 =	vld [tilespmem:s6+$0x10000];
	(v2sf) =	vpush v9, $0xF;
	v9, _, _ =	vpop (xrf0)  }
0x24e: {  	(v2sf) =	vpush v9, $0xF;
	_ =	sdelay $0x1  }
0x24f: {  	(xrf0) =	vmax.scan.msk.f32 $0xffff, v10;
	_ =	sdelay $0x1  }
0x250: {  	(xrf2) =	vadd.scan.msk.f32 $0xffff, v11;
	_ =	sdelay $0x3  }
0x251: {  	v9, _, _ =	vpop (xrf0)  }
0x252: {  	(v2sf) =	vpush v9, $0xF;
	_ =	sdelay $0x1  }
0x253: {  	s6 =	spop (v2sf);
	_ =	sdelay $0x2  }
0x254: {  	v9, _, _ =	vpop (xrf2);
	s11 =	spop (v2sf)  }
0x255: {  	p3 =	seq.s32 s30, $0x0;
	v9 =	vadd.f32 s6, v9;
	p4 =	seq.s32 s11, $0x80000001;
	s6 =	spop (v2sf)  }
0x256: {  	s11 =	sxor.u32 $0x80000000, s11;
	s6 =	sxor.u32 $0x80000000, s6;
	p3 =	por !p3, !p4  }
0x257: {  	s30 =	sor.u32 s30, s11;
	vm1 =	vge.f32 v9, $8.999999760e-01;
	(xrf0) =	vmax.scan.msk.f32 $0xffff, v9;
	p4 =	slt.s32 s6, $0xF  }
0x258: {  	s31 =	sadd.s32 $0x10, s31;
	v10 =	vsel vm1, $0x1, v1;
	v11 =	vmctz.xlane vm1;
	s6 =	simm.s32 @!p4 $0xF  }
0x259: {  	p3 =	por !p3, !p3;
	v10 =	vor.u32 $0x80000000, v10;
	v12 =	vmov s6;
	s6 =	sadd.s32 s31, s6  }
.Ltmp14:
0x25a: {  	v11 =	vxor.u32 $0x80000000, v11;
	(xrf0) =	vmax.scan.msk.u32 $0xffff, v10;
	s25 =	smov.u32 @p3 s6;
	(pc) =	sbr.rel @p2 .LBB2_32-.Ltmp14, $3  }
0x25b: {  	(xrf0) =	vmax.scan.msk.u32 $0xffff, v11;
	_ =	sdelay $0x1  }
0x25c: {  	v10, _, _ =	vpop (xrf0)  }
0x25d: {  	(v2sf) =	vpush v10, $0xF;
	v10 =	vld.idx.msk [tilespmem:v12+s20+$0x0], $0xffff;
	s11 =	spop (v2sf)  }
0x25e: {  	_ = 	snop  }
0x25f: {  	v11, _, _ =	vpop (xrf0)  }
0x260: {  	(v2sf) =	vpush v11, $0xF;
	v11, _, _ =	vpop (xrf0)  }
0x261: {  	(v2sf) =	vpush v11, $0xF;
	_ =	sdelay $0xc  }
0x262: {  	s6 =	spop (v2sf)  }
0x263: {  	s0 =	spop (v2sf)  }
0x264: {  	s22 =	spop (v2sf)  }
0x265: {  	s22 =	sxor.u32 $0x80000000, s22  }
0x266: {  	p2 =	slt.s32 s22, $0xF  }
0x267: {  	s22 =	simm.s32 @!p2 $0xF  }
0x268: {  	v11 =	vmov s22;
	_ =	sdelay $0x3  }
0x269: {  	[tilespmem:$0x1ED00] =	vst v9  }
0x26a: {  	(xrf0) =	vmax.scan.msk.f32 $0xffff, v10;
	v9 =	vld.idx.msk [tilespmem:v11+s20+$0x0], $0xffff;
	_ =	sdelay $0x4  }
0x26b: {  	(xrf0) =	vmax.scan.msk.f32 $0xffff, v9  }
0x26c: {  	v9, _, _ =	vpop (xrf0)  }
0x26d: {  	(v2sf) =	vpush v9, $0xF;
	_ =	sdelay $0x3  }
0x26e: {  	v9, _, _ =	vpop (xrf0)  }
0x26f: {  	(v2sf) =	vpush v9, $0xF;
	_ =	sdelay $0x7  }
0x270: {  	s26 =	smov.u32 @p1 s11;
	p5 =	seq.s32 s30, $0x0  }
0x271: {  	p3 =	por p3, p3;
	p6 =	seq.s32 s0, $0x80000001;
	s0 =	sxor.u32 $0x80000000, s0  }
0x272: {  	s29 =	sadd.s32 $0x1, s29;
	s0 =	sor.u32 s30, s0;
	s30 =	spop (v2sf)  }
0x273: {  	s26 =	smov.u32 @p3 s30;
	p3 =	sne.s32 s29, $0xA  }
.Ltmp15:
0x274: {  	_ = 	snop;
	(pc) =	sbr.rel @p3 .LBB2_31-.Ltmp15, $4  }
0x275: {  	p1 =	por !p5, !p6  }
0x276: {  	s31 =	sadd.s32 $0x10, s31;
	p1 =	por !p1, !p1  }
0x277: {  	p2 =	por p1, p1;
	s11 =	sadd.s32 s31, s22;
	s22 =	spop (v2sf)  }
0x278: {  	s28 =	sadd.s32 $0x2710, s28;
	s25 =	smov.u32 @p1 s11;
	s26 =	smov.u32 @p2 s22  }
0x279: {  	s0 =	smul.f32 $1.000000000e-30, s26  }
0x27a: {  	v12 =	vmov s25;
	v11 =	vimm.f32 $-1.000000000e+00  }
0x27b: {  	v9 =	vimm.s32 $0x0;
	s25 =	simm.s32 $0x0;
	v10 =	vimm.s32 $0x0;
	s26 =	simm.s32 $0x0;
	v13 =	vmov s0;
	s0 =	simm.s32 $0x0  }
.LBB2_35:
0x27c: {  	s6 =	smul.u32 $0x2710, s26;
	_ =	sdelay $0x1  }
0x27d: {  	s6 =	sadd.s32 s24, s6  }
0x27e: {  	s6 =	sshrl.u32 s6, $0x3  }
0x27f: {  	s11 =	sadd.s32 s8, s6  }
0x280: {  	[tilespmem:s12], [sflag:$0x1] =	stream.linear.gather [hbm4b:s11+s0], $0x2710, $0x38;
	[tilespmem:$0x1EE00] =	vst v63  }
0x281: {  	_ =	swait.ge [sflag:s13], $0x2710  }
0x282: {  	[sflag:s13] =	ssyncset.done $0x0  }
0x283: {  	s30 =	sadd.s32 s1, s6;
	[sflag:s13] =	ssyncadd.s32 $0xFFFFD8F0  }
0x284: {  	[tilespmem:s21], [sflag:$0x1] =	stream.linear.gather [hbm4b:s30+s0], $0x2710, $0x38;
	[tilespmem:$0x1EE00] =	vst v63  }
0x285: {  	_ =	swait.ge [sflag:s13], $0x2710  }
0x286: {  	[sflag:s13] =	ssyncset.done $0x0  }
0x287: {  	s6 =	sadd.s32 s9, s6;
	[sflag:s13] =	ssyncadd.s32 $0xFFFFD8F0  }
0x288: {  	[tilespmem:s19], [sflag:$0x1] =	stream.linear.gather [hbm4b:s6+s0], $0x2710, $0x38;
	[tilespmem:$0x1EE00] =	vst v63  }
0x289: {  	_ =	swait.ge [sflag:s13], $0x2710  }
0x28a: {  	[sflag:s13] =	ssyncset.done $0x0  }
0x28b: {  	s31 =	simm.s32 $0x0;
	[sflag:s13] =	ssyncadd.s32 $0xFFFFD8F0  }
0x28c: {  	v16 =	vld [tilespmem:s31+$0x10000]  }
0x28d: {  	v17 =	vld [tilespmem:s31+$0x14F00]  }
0x28e: {  	v15 =	vld [tilespmem:s31+$0x12780]  }
0x28f: {  	v14 =	vor.u32 s25, v0  }
0x290: {  	vm1 =	vgt.s32 v14, v12;
	s11 =	smov.u32 s25;
	s6 =	simm.s32 $0x40  }
.LBB2_36:
0x291: {  	s22 =	sshra.s32 s6, $0x2;
	p1 =	sne.s32 s6, $0x9C00;
	s6 =	sadd.s32 $0x40, s6;
	v18 =	vsel vm1, v13, v16  }
.Ltmp16:
0x292: {  	v16 =	vld [tilespmem:s22+$0x10000];
	v18 =	vmul.f32 v17, v18;
	(pc) =	sbr.rel @p1 .LBB2_36-.Ltmp16, $4  }
0x293: {  	v17 =	vld [tilespmem:s22+$0x14F00];
	v19 =	vmov v15  }
0x294: {  	s11 =	sadd.s32 $0x10, s11;
	v15 =	vld [tilespmem:s22+$0x12780];
	vm2 =	vgt.f32 v18, v11  }
0x295: {  	v11 =	vsel vm2, v18, v11;
	v10 =	vsel vm2, v14, v10;
	v14 =	vor.u32 s11, v0  }
0x296: {  	v9 =	vsel vm2, v19, v9;
	vm1 =	vgt.s32 v14, v12  }
0x297: {  	s26 =	sadd.s32 $0x1, s26  }
0x298: {  	p1 =	sne.s32 s26, $0xA  }
.Ltmp17:
0x299: {  	v16 =	vsel vm1, v13, v16;
	(pc) =	sbr.rel @p1 .LBB2_35-.Ltmp17, $3  }
0x29a: {  	v16 =	vmul.f32 v17, v16;
	_ =	sdelay $0x1  }
0x29b: {  	vm1 =	vgt.f32 v16, v11  }
0x29c: {  	s25 =	sadd.s32 $0x2710, s25;
	v11 =	vsel vm1, v16, v11;
	v10 =	vsel vm1, v14, v10;
	v9 =	vsel vm1, v15, v9  }
0x29d: {  	s0 =	simm.s32 $0x10020  }
0x29e: {  	[tilespmem:s0+$0xFFFFFFE0] =	vst v7  }
0x29f: {  	[tilespmem:s0+$0x10] =	vst v7  }
0x2a0: {  	s6 =	simm.s32 $0x0;
	[tilespmem:s0+$0x0] =	vst v7  }
.LBB2_39:
0x2a1: {  	s6 =	sadd.s32 $0x4, s6  }
0x2a2: {  	[tilespmem:s0+$0xFFFFFFF0] =	vst v7;
	s0 =	sadd.s32 $0x40, s0;
	p1 =	slt.u32 s6, $0x26C  }
.Ltmp18:
0x2a3: {  	[tilespmem:s0+$0xFFFFFFE0] =	vst v7;
	(pc) =	sbr.rel @p1 .LBB2_39-.Ltmp18, $3  }
0x2a4: {  	_ =	sdelay $0x1  }
0x2a5: {  	[tilespmem:s0+$0x10] =	vst v7  }
0x2a6: {  	[tilespmem:s0+$0x0] =	vst v7  }
0x2a7: {  	(xrf0) =	vmax.scan.msk.f32 $0xffff, v11;
	_ =	sdelay $0x5  }
0x2a8: {  	v12, _, _ =	vpop (xrf0)  }
0x2a9: {  	v12 =	vbroadcast v12, $0xF;
	_ =	sdelay $0x1  }
0x2aa: {  	vm1 =	veq.f32 v11, v12;
	v11 =	vxor.u32 $0x80000000, v10  }
0x2ab: {  	v11 =	vnsel vm1, $0xC0000000, v11  }
0x2ac: {  	(xrf0) =	vmin.scan.msk.u32 $0xffff, v11;
	_ =	sdelay $0x5  }
0x2ad: {  	v11, _, _ =	vpop (xrf0)  }
0x2ae: {  	(v2sf) =	vpush v11, $0xF;
	_ =	sdelay $0xe  }
0x2af: {  	s6 =	spop (v2sf)  }
0x2b0: {  	s6 =	sxor.u32 $0x80000000, s6  }
0x2b1: {  	vm2 =	veq.s32 v10, s6  }
0x2b2: {  	v9 =	vxor.u32 $0x80000000, v9;
	vm1 =	vmand vm1, vm2  }
0x2b3: {  	v9 =	vnsel vm1, $0xC0000000, v9  }
0x2b4: {  	(xrf0) =	vmin.scan.msk.u32 $0xffff, v9;
	_ =	sdelay $0x5  }
0x2b5: {  	v9, _, _ =	vpop (xrf0)  }
0x2b6: {  	(v2sf) =	vpush v9, $0xF;
	_ =	sdelay $0xe  }
0x2b7: {  	s28 =	spop (v2sf)  }
0x2b8: {  	s11 =	sxor.u32 $0x80000000, s28  }
0x2b9: {  	s22 =	smulhi.u32 $0x68DB8BAD, s11;
	s24 =	sshra.s32 s11, $0x1F  }
0x2ba: {  	s24 =	smul.u32 $0x68DB8BAD, s24;
	_ =	sdelay $0x1  }
0x2bb: {  	s22 =	sadd.s32 s24, s22  }
0x2bc: {  	s24 =	sshrl.u32 s22, $0x1F;
	s22 =	sshra.s32 s22, $0xC  }
0x2bd: {  	s22 =	sadd.s32 s24, s22  }
0x2be: {  	s24 =	smul.u32 $0xFFFFD8F0, s22  }
0x2bf: {  	p2 =	sgt.s32 s28, $0xFFFFFFFF;
	p1 =	slt.s32 s11, $0x1;
	s29 =	ssub.s32 $0x0, s11  }
0x2c0: {  	p1 =	por p2, p1;
	p6 =	sne.s32 s24, s29  }
0x2c1: {  	p1 =	por !p1, !p6  }
0x2c2: {  	s6 =	simm.s32 $0x1;
	p1 =	por !p1, !p1  }
0x2c3: {  	s6 =	simm.s32 @!p1 $0x0  }
0x2c4: {  	s22 =	ssub.s32 s22, s6  }
0x2c5: {  	s6 =	smul.u32 $0xFFFFD8F0, s22;
	_ =	sdelay $0x1  }
0x2c6: {  	s24 =	ssub.s32 $0x0, s22;
	s6 =	sadd.s32 s11, s6  }
0x2c7: {  	p1 =	seq.s32 s24, $0x0;
	s11 =	smov.u32 s6  }
0x2c8: {  	s11 =	simm.s32 @!p1 $0x0  }
0x2c9: {  	v9 =	vmov s11;
	_ =	sdelay $0x1  }
0x2ca: {  	s30 =	sadd.s32 s23, s10  }
0x2cb: {  	[tilespmem:s0+$0xFFFFFFF0] =	vst v7;
	s31 =	smul.u32 $0x30D4, s30  }
0x2cc: {  	[tilespmem:$0x12700] =	vst v7;
	v10 =	vpsel !p1, $0x3727C5AC, v8  }
0x2cd: {  	s0 =	sadd.s32 s31, s4;
	[tilespmem:v9+s12+$0x0] =	vst.idx.msk $0x1, v10  }
0x2ce: {  	[hbm4b:s0+s2] =	stream.linear.scatter [tilespmem:s12], [sflag:$0x1], $0x2710, $0x38;
	[tilespmem:$0x1EE00] =	vst v63  }
0x2cf: {  	s22 =	smov.u32 s6;
	p1 =	seq.s32 s24, $0xFFFFFFFF;
	_ =	swait.ge [sflag:s13], $0x2710  }
0x2d0: {  	s22 =	simm.s32 @!p1 $0x0;
	[sflag:s13] =	ssyncset.done $0x0  }
0x2d1: {  	s23 =	simm.s32 $0xFFFFFFFE;
	s11 =	simm.s32 $0xFFFFFFFD;
	v11 =	vpsel !p1, $0x3727C5AC, v8;
	v10 =	vmov s22;
	[sflag:s13] =	ssyncadd.s32 $0xFFFFD8F0  }
.LBB2_41:
0x2d2: {  	p2 =	seq.s32 s24, s23;
	s0 =	sadd.s32 $0x4E2, s0;
	s23 =	smov.u32 s11  }
0x2d3: {  	[tilespmem:v9+s12+$0x0] =	vst.idx.msk $0x1, v7;
	v9 =	vmov v10;
	s22 =	sadd.s32 $0xFFFFFFFF, s11;
	p1 =	sne.s32 s11, $0xFFFFFFF7;
	s11 =	smov.u32 s6  }
.Ltmp19:
0x2d4: {  	s11 =	simm.s32 @!p2 $0x0;
	[tilespmem:v10+s12+$0x0] =	vst.idx.msk $0x1, v11;
	v11 =	vpsel !p2, $0x3727C5AC, v8;
	(pc) =	sbr.rel @p1 .LBB2_41-.Ltmp19, $4  }
0x2d5: {  	v10 =	vmov s11;
	[hbm4b:s0+s2] =	stream.linear.scatter [tilespmem:s12], [sflag:$0x1], $0x2710, $0x38;
	[tilespmem:$0x1EE00] =	vst v63  }
0x2d6: {  	_ =	swait.ge [sflag:s13], $0x2710  }
0x2d7: {  	[sflag:s13] =	ssyncset.done $0x0  }
0x2d8: {  	s11 =	smov.u32 s22;
	[sflag:s13] =	ssyncadd.s32 $0xFFFFD8F0  }
0x2d9: {  	_ =	sdelay $0x3  }
0x2da: {  	p1 =	seq.s32 s24, s23;
	[tilespmem:v9+s12+$0x0] =	vst.idx.msk $0x1, v7  }
0x2db: {  	s0 =	sadd.s32 $0x4E2, s0;
	s6 =	simm.s32 @!p1 $0x0;
	[tilespmem:v10+s12+$0x0] =	vst.idx.msk $0x1, v11  }
0x2dc: {  	v9 =	vmov s6;
	[hbm4b:s0+s2] =	stream.linear.scatter [tilespmem:s12], [sflag:$0x1], $0x2710, $0x38;
	[tilespmem:$0x1EE00] =	vst v63  }
0x2dd: {  	_ =	swait.ge [sflag:s13], $0x2710  }
0x2de: {  	[sflag:s13] =	ssyncset.done $0x0  }
0x2df: {  	[sflag:s13] =	ssyncadd.s32 $0xFFFFD8F0  }
0x2e0: {  	v11 =	vpsel !p1, $0x3727C5AC, v8;
	[tilespmem:v10+s12+$0x0] =	vst.idx.msk $0x1, v7  }
0x2e1: {  	s0 =	sadd.s32 $0x4E2, s0;
	[tilespmem:v9+s12+$0x0] =	vst.idx.msk $0x1, v11  }
0x2e2: {  	[hbm4b:s0+s2] =	stream.linear.scatter [tilespmem:s12], [sflag:$0x1], $0x2710, $0x38;
	[tilespmem:$0x1EE00] =	vst v63  }
.Ltmp20:
0x2e3: {  	_ = 	snop;
	(pc) =	sbr.rel @p0 .LBB2_30-.Ltmp20, $4  }
0x2e4: {  	_ =	swait.ge [sflag:s13], $0x2710  }
0x2e5: {  	[sflag:s13] =	ssyncset.done $0x0  }
0x2e6: {  	[sflag:s13] =	ssyncadd.s32 $0xFFFFD8F0  }
0x2e7: {  	s23 =	simm.s32 $0x20;
	p1 =	por $0x0, $0x0;
	[tilespmem:v9+s12+$0x0] =	vst.idx.msk $0x1, v7  }
0x2e8: {  	s6 =	rddreg [dreg:$0x4]  }
0x2e9: {  	s0 =	rddreg [dreg:$0x3];
	s6 =	sadd.s32 $0x1, s6  }
0x2ea: {  	p0 =	sne.s32 s6, s0  }
.Ltmp21:
0x2eb: {  	_ = 	snop;
	(pc) =	sbr.rel @p0 .LBB2_1-.Ltmp21, $1  }
0x2ec: {  	_ =	sdelay $0x3  }
0x2ed: {  	_ =	sfence.sel $0x180000  }
0x2ee: {  	[bflag:$0x0] =	sbarrier.arrive $0xFFFF  }
0x2ef: {  	_ =	strace $0x90000047  }
0x2f0: {  	s0 =	stileid.u32;
	[bflag:$0x2] =	sbarrier.arrive $0xFFFF  }
0x2f1: {  	p0 =	sne.s32 s0, $0x0;
	s0 =	rddreg [dreg:$0x2]  }
0x2f2: {  	s0 =	sadd.s32 @!p0 $0x100000, s0  }
0x2f3: {  	[sflag:s0] =	ssyncadd.tile.s32 @!p0 $0x1;
	_ =	shalt  }
.Lfunc_end2:
_tile_overlayer_lowered:
.L_overlay_start_2:
0x2f4: {  	(tag) =	ssettag $0x2  }
0x2f5: {  	s0 =	rddreg [dreg:$0x0];
	s2 =	stileid.u32  }
0x2f6: {  	s1 =	rddreg [dreg:$0x1];
	p0 =	sne.s32 s2, $0x0  }
0x2f7: {  	s3 =	rddreg [dreg:$0x2];
	[bflag:$0x3] =	sbarrier.arrive $0xFFFF;
	s2 =	simm.s32 @!p0 $0x1C01  }
0x2f8: {  	[timem:s3], [sflag:s2] =	dma.local @!p0 [hbm:s0], s1  }
0x2f9: {  	s0 =	simm.s32 @!p0 $0x1  }
0x2fa: {  	_ =	swait.ge @!p0 [sflag:s0], s1  }
0x2fb: {  	s1 =	ssub.s32 @!p0 $0x0, s1;
	[sflag:s0] =	ssyncset.done @!p0 $0x0  }
0x2fc: {  	[sflag:s0] =	ssyncadd.s32 @!p0 s1  }
0x2fd: {  	[bflag:$0x3] =	sbarrier.arrive $0xFFFF  }
0x2fe: {  	_ =	shalt  }

</sc_bundles>
